<compile_context>
chip_gen: v7x
topology: tpu7x:2x2x1
jax: 0.10.2.dev20260603
libtpu: 0.0.44.dev20260713+nightly
codegen_flags: <defaults>
</compile_context>

<pallas_src>
import functools

import jax
import jax.numpy as jnp
from jax import lax
from jax.experimental import pallas as pl
from jax.experimental.pallas import tpu as pltpu
from jax.experimental.pallas import tpu_sc as plsc

_N = 10000
_E = 160000
_DIN = 128
_HID = 128
_ZD = 64
_K = 5
_TAU = 0.5

_NC = 2
_NS = 16
_NW = _NC * _NS
_EPT = _E // _NW
_C = 40
_NCH = _EPT // _C
_RPT = 640

_mesh = plsc.VectorSubcoreMesh(core_axis_name="c", subcore_axis_name="s")


@functools.partial(
    pl.kernel,
    out_type=jax.ShapeDtypeStruct((_NW, _N), jnp.float32),
    mesh=_mesh,
    compiler_params=pltpu.CompilerParams(needs_layout_passes=False),
    scratch_types=[
        pltpu.VMEM((_EPT + 16,), jnp.int32),
        pltpu.VMEM((_N,), jnp.float32),
    ],
)
def _sc_degree(dst_hbm, out_hbm, idx_v, cnt_v):
    c = lax.axis_index("c")
    s = lax.axis_index("s")
    wid = s * _NC + c

    def zero_body(i, carry):
        cnt_v[pl.ds(i * 16, 16)] = jnp.zeros((16,), jnp.float32)
        return carry

    lax.fori_loop(0, _N // 16, zero_body, 0)
    idx_v[pl.ds(_EPT, 16)] = jnp.zeros((16,), jnp.int32)
    pltpu.sync_copy(dst_hbm.at[pl.ds(wid * _EPT, _EPT)], idx_v.at[pl.ds(0, _EPT)])

    ones = jnp.ones((16,), jnp.float32)
    nfull = _EPT // 16

    def body(i, carry):
        idx = idx_v[pl.ds(i * 16, 16)]
        plsc.addupdate_scatter(cnt_v, [idx], ones)
        return carry

    lax.fori_loop(0, nfull, body, 0)
    tail = _EPT - nfull * 16
    if tail:
        idx = idx_v[pl.ds(nfull * 16, 16)]
        mask = lax.iota(jnp.int32, 16) < tail
        plsc.addupdate_scatter(cnt_v, [idx], ones, mask=mask)
    pltpu.sync_copy(cnt_v, out_hbm.at[wid])


@functools.partial(
    pl.kernel,
    out_type=jax.ShapeDtypeStruct((_NC, _N, _HID), jnp.float32),
    mesh=_mesh,
    compiler_params=pltpu.CompilerParams(needs_layout_passes=False),
    scratch_types=[
        pltpu.VMEM((_NCH, _C), jnp.int32),
        pltpu.VMEM((_NCH, _C), jnp.int32),
        pltpu.VMEM((_C, _HID), jnp.float32),
        pltpu.VMEM_SHARED((_N, _HID), jnp.float32),
        pltpu.SemaphoreType.DMA,
    ],
)
def _sc_aggregate(ht_hbm, srcr_hbm, dstr_hbm, zeros_hbm, out_hbm,
                  srcv, dstv, rows, accum, sem):
    c = lax.axis_index("c")
    s = lax.axis_index("s")
    wid = s * _NC + c
    pltpu.sync_copy(srcr_hbm.at[wid], srcv)
    pltpu.sync_copy(dstr_hbm.at[wid], dstv)
    start = pl.multiple_of(jnp.minimum(s * _RPT, _N - _RPT), 8)
    pltpu.sync_copy(zeros_hbm, accum.at[pl.ds(start, _RPT)])
    plsc.subcore_barrier()

    def body(j, carry):
        pltpu.async_copy(ht_hbm.at[srcv.at[j]], rows, sem).wait()
        pltpu.sync_copy(rows, accum.at[dstv.at[j]], add=True)
        return carry

    lax.fori_loop(0, _NCH, body, 0)
    plsc.subcore_barrier()
    pltpu.sync_copy(accum.at[pl.ds(start, _RPT)],
                    out_hbm.at[c].at[pl.ds(start, _RPT)])


@functools.partial(
    pl.kernel,
    out_type=(
        jax.ShapeDtypeStruct((_E, _HID), jnp.float32),
        jax.ShapeDtypeStruct((_E, _HID), jnp.float32),
    ),
    mesh=_mesh,
    compiler_params=pltpu.CompilerParams(needs_layout_passes=False),
    scratch_types=[
        pltpu.VMEM((_NCH, _C), jnp.int32),
        pltpu.VMEM((_NCH, _C), jnp.int32),
        pltpu.VMEM((_C, _HID), jnp.float32),
        pltpu.VMEM((_C, _HID), jnp.float32),
        pltpu.SemaphoreType.DMA,
        pltpu.SemaphoreType.DMA,
    ],
)
def _sc_edge_gather(p_hbm, q_hbm, srcr_hbm, dstr_hbm, rs_hbm, rd_hbm,
                    srcv, dstv, bufa, bufb, sema, semb):
    c = lax.axis_index("c")
    s = lax.axis_index("s")
    wid = s * _NC + c
    base = wid * _EPT
    pltpu.sync_copy(srcr_hbm.at[wid], srcv)
    pltpu.sync_copy(dstr_hbm.at[wid], dstv)

    def body(j, carry):
        cpa = pltpu.async_copy(p_hbm.at[srcv.at[j]], bufa, sema)
        cpb = pltpu.async_copy(q_hbm.at[dstv.at[j]], bufb, semb)
        cpa.wait()
        cpb.wait()
        pltpu.sync_copy(bufa, rs_hbm.at[pl.ds(base + j * _C, _C)])
        pltpu.sync_copy(bufb, rd_hbm.at[pl.ds(base + j * _C, _C)])
        return carry

    lax.fori_loop(0, _NCH, body, 0)


def _tc_transform1_body(cnt_ref, x_ref, w1_ref, ht1_ref, dinv_ref):
    deg = jnp.sum(cnt_ref[...], axis=0) + 1.0
    dinv = lax.rsqrt(deg)
    h = jnp.dot(x_ref[...], w1_ref[...], preferred_element_type=jnp.float32)
    ht1_ref[...] = h * dinv[:, None]
    dinv_ref[...] = dinv[:, None]


def _tc_combine1_body(agg_ref, ht1_ref, dinv_ref, w2_ref, b1_ref, ht2_ref):
    dinv = dinv_ref[...]
    pre = dinv * (agg_ref[0] + agg_ref[1] + ht1_ref[...]) + b1_ref[...]
    h = jnp.maximum(pre, 0.0)
    ht2_ref[...] = jnp.dot(h, w2_ref[...],
                           preferred_element_type=jnp.float32) * dinv


def _tc_combine2_body(agg_ref, ht2_ref, dinv_ref, b2_ref, e1a_ref, e1b_ref,
                      p_ref, q_ref):
    emb = dinv_ref[...] * (agg_ref[0] + agg_ref[1] + ht2_ref[...]) + b2_ref[...]
    p_ref[...] = jnp.dot(emb, e1a_ref[...], preferred_element_type=jnp.float32)
    q_ref[...] = jnp.dot(emb, e1b_ref[...], preferred_element_type=jnp.float32)


_BLK_E = 1000


def _tc_edge_body(rs_ref, rd_ref, g_ref, eps_ref, eb1_ref, ew2_ref, eb2_ref,
                  ew3_ref, eb3_ref, mm_ref, ml_ref, ndw1_ref, ndb1_ref,
                  ndw2_ref, ndb2_ref, adw1_ref, adb1_ref, adw2_ref, adb2_ref,
                  ep_ref, attr_ref, z_ref, means_ref, lv_ref, w_ref, lg_ref):
    m1 = jnp.maximum(rs_ref[...] + rd_ref[...] + eb1_ref[...], 0.0)
    m2 = jnp.maximum(
        jnp.dot(m1, ew2_ref[...], preferred_element_type=jnp.float32)
        + eb2_ref[...], 0.0)
    logits = jnp.dot(m2, ew3_ref[...],
                     preferred_element_type=jnp.float32) + eb3_ref[...]
    lg = (logits + g_ref[...]) / _TAU
    lg = lg - jnp.max(lg, axis=-1, keepdims=True)
    elg = jnp.exp(lg)
    w = elg / jnp.sum(elg, axis=-1, keepdims=True)
    means = jnp.dot(w, mm_ref[...], preferred_element_type=jnp.float32)
    lv = jnp.dot(w, ml_ref[...], preferred_element_type=jnp.float32)
    z = means + eps_ref[...] * jnp.exp(0.5 * lv)
    nd = jnp.maximum(
        jnp.dot(z, ndw1_ref[...], preferred_element_type=jnp.float32)
        + ndb1_ref[...], 0.0)
    ep = jax.nn.sigmoid(
        jnp.dot(nd, ndw2_ref[...], preferred_element_type=jnp.float32)
        + ndb2_ref[...])
    ad = jnp.maximum(
        jnp.dot(z, adw1_ref[...], preferred_element_type=jnp.float32)
        + adb1_ref[...], 0.0)
    attr = jnp.dot(ad, adw2_ref[...],
                   preferred_element_type=jnp.float32) + adb2_ref[...]
    ep_ref[...] = ep
    attr_ref[...] = attr
    z_ref[...] = z
    means_ref[...] = means
    lv_ref[...] = lv
    w_ref[...] = w
    lg_ref[...] = logits


def _full(shape):
    return pl.BlockSpec(shape, lambda *_: tuple(0 for _ in shape))


def kernel(x, edge_index, W1, b1, W2, b2, eW1, eb1, eW2, eb2, eW3, eb3,
           mix_means, mix_logvars, ndW1, ndb1, ndW2, ndb2, adW1, adb1,
           adW2, adb2):
    f32 = jnp.float32
    src = edge_index[0]
    dst = edge_index[1]
    srcr = src.reshape(_NW, _NCH, _C)
    dstr = dst.reshape(_NW, _NCH, _C)
    zeros_stripe = jnp.zeros((_RPT, _HID), f32)

    counts = _sc_degree(dst)

    ht1, dinv = pl.pallas_call(
        _tc_transform1_body,
        out_shape=(jax.ShapeDtypeStruct((_N, _HID), f32),
                   jax.ShapeDtypeStruct((_N, 1), f32)),
    )(counts, x, W1)

    agg1 = _sc_aggregate(ht1, srcr, dstr, zeros_stripe)

    ht2 = pl.pallas_call(
        _tc_combine1_body,
        out_shape=jax.ShapeDtypeStruct((_N, _HID), f32),
    )(agg1, ht1, dinv, W2, b1.reshape(1, _HID))

    agg2 = _sc_aggregate(ht2, srcr, dstr, zeros_stripe)

    p, q = pl.pallas_call(
        _tc_combine2_body,
        out_shape=(jax.ShapeDtypeStruct((_N, _HID), f32),
                   jax.ShapeDtypeStruct((_N, _HID), f32)),
    )(agg2, ht2, dinv, b2.reshape(1, _HID), eW1[:_HID], eW1[_HID:])

    rs, rd = _sc_edge_gather(p, q, srcr, dstr)

    g = jax.random.gumbel(jax.random.key(1), (_E, _K), dtype=f32)
    eps = jax.random.normal(jax.random.key(2), (_E, _ZD), dtype=f32)

    nblk = _E // _BLK_E
    eblk = lambda w: pl.BlockSpec((_BLK_E, w), lambda i: (i, 0))
    ep, attr, z, means, lv, w, logits = pl.pallas_call(
        _tc_edge_body,
        grid=(nblk,),
        in_specs=[
            eblk(_HID), eblk(_HID), eblk(_K), eblk(_ZD),
            _full((1, _HID)), _full((_HID, _HID)), _full((1, _HID)),
            _full((_HID, _K)), _full((1, _K)),
            _full((_K, _ZD)), _full((_K, _ZD)),
            _full((_ZD, _HID)), _full((1, _HID)),
            _full((_HID, 1)), _full((1, 1)),
            _full((_ZD, _HID)), _full((1, _HID)),
            _full((_HID, 2 * _DIN)), _full((1, 2 * _DIN)),
        ],
        out_specs=[
            eblk(1), eblk(2 * _DIN), eblk(_ZD), eblk(_ZD), eblk(_ZD),
            eblk(_K), eblk(_K),
        ],
        out_shape=(
            jax.ShapeDtypeStruct((_E, 1), f32),
            jax.ShapeDtypeStruct((_E, 2 * _DIN), f32),
            jax.ShapeDtypeStruct((_E, _ZD), f32),
            jax.ShapeDtypeStruct((_E, _ZD), f32),
            jax.ShapeDtypeStruct((_E, _ZD), f32),
            jax.ShapeDtypeStruct((_E, _K), f32),
            jax.ShapeDtypeStruct((_E, _K), f32),
        ),
    )(rs, rd, g, eps,
      eb1.reshape(1, _HID), eW2, eb2.reshape(1, _HID),
      eW3, eb3.reshape(1, _K),
      mix_means, mix_logvars,
      ndW1, ndb1.reshape(1, _HID), ndW2, ndb2.reshape(1, 1),
      adW1, adb1.reshape(1, _HID), adW2, adb2.reshape(1, 2 * _DIN))

    return (ep.reshape(_E), attr, z, means, lv, w, logits)

# --- scband reference (transcript-rebuilt; emitter-appended) ---
"""Pipeline reference for scband-re-learn-model-53970559041893 (READ-ONLY COPY).

The authoritative reference and input builder live on the scoring server;
editing this copy changes nothing except your own understanding.
"""

import jax, jax.numpy as jnp
import numpy as np

N = 10000
E = 160000
D_IN = 128
HID = 128
ZD = 64
K = 5
TAU = 0.5


def setup_inputs(seed: int = 0) -> dict:
    key = jax.random.key(seed)
    ks = jax.random.split(key, 24)
    s = 0.05
    inp = {}
    inp['x'] = jax.random.normal(ks[0], (N, D_IN), dtype=jnp.float32)
    inp['edge_index'] = jax.random.randint(ks[1], (2, E), 0, N, dtype=jnp.int32)
    # GCN layer 1 and 2
    inp['W1'] = jax.random.normal(ks[2], (D_IN, HID), dtype=jnp.float32) * s
    inp['b1'] = jnp.zeros((HID,), dtype=jnp.float32)
    inp['W2'] = jax.random.normal(ks[3], (HID, HID), dtype=jnp.float32) * s
    inp['b2'] = jnp.zeros((HID,), dtype=jnp.float32)
    # EdgeEncoder MLP
    inp['eW1'] = jax.random.normal(ks[4], (2 * HID, HID), dtype=jnp.float32) * s
    inp['eb1'] = jnp.zeros((HID,), dtype=jnp.float32)
    inp['eW2'] = jax.random.normal(ks[5], (HID, HID), dtype=jnp.float32) * s
    inp['eb2'] = jnp.zeros((HID,), dtype=jnp.float32)
    inp['eW3'] = jax.random.normal(ks[6], (HID, K), dtype=jnp.float32) * s
    inp['eb3'] = jnp.zeros((K,), dtype=jnp.float32)
    inp['mix_means'] = jax.random.normal(ks[7], (K, ZD), dtype=jnp.float32)
    inp['mix_logvars'] = jnp.zeros((K, ZD), dtype=jnp.float32)
    # NetworkDecoder
    inp['ndW1'] = jax.random.normal(ks[8], (ZD, HID), dtype=jnp.float32) * s
    inp['ndb1'] = jnp.zeros((HID,), dtype=jnp.float32)
    inp['ndW2'] = jax.random.normal(ks[9], (HID, 1), dtype=jnp.float32) * s
    inp['ndb2'] = jnp.zeros((1,), dtype=jnp.float32)
    # AttributeDecoder
    inp['adW1'] = jax.random.normal(ks[10], (ZD, HID), dtype=jnp.float32) * s
    inp['adb1'] = jnp.zeros((HID,), dtype=jnp.float32)
    inp['adW2'] = jax.random.normal(ks[11], (HID, 2 * D_IN), dtype=jnp.float32) * s
    inp['adb2'] = jnp.zeros((2 * D_IN,), dtype=jnp.float32)
    return inp


def _gcn_conv(x, src, dst, W, b):
    h = x @ W
    loop = jnp.arange(N, dtype=src.dtype)
    s2 = jnp.concatenate([src, loop])
    d2 = jnp.concatenate([dst, loop])
    deg = jnp.zeros((N,), x.dtype).at[d2].add(1.0)
    dinv = jnp.where(deg > 0, jax.lax.rsqrt(jnp.maximum(deg, 1e-12)), 0.0)
    norm = dinv[s2] * dinv[d2]
    msg = h[s2] * norm[:, None]
    out = jnp.zeros((N, W.shape[1]), x.dtype).at[d2].add(msg)
    return out + b


def reference(x, edge_index, W1, b1, W2, b2, eW1, eb1, eW2, eb2, eW3, eb3, mix_means, mix_logvars, ndW1, ndb1, ndW2, ndb2, adW1, adb1, adW2, adb2):
    src = edge_index[0]
    dst = edge_index[1]
    # GCNEncoder
    h = jax.nn.relu(_gcn_conv(x, src, dst, W1, b1))
    emb = _gcn_conv(h, src, dst, W2, b2)
    # EdgeEncoder
    se = emb[src]
    de = emb[dst]
    ef = jnp.concatenate([se, de], axis=1)
    m = jax.nn.relu(ef @ eW1 + eb1)
    m = jax.nn.relu(m @ eW2 + eb2)
    mixture_logits = m @ eW3 + eb3
    g = jax.random.gumbel(jax.random.key(1), mixture_logits.shape, dtype=jnp.float32)
    mixture_weights = jax.nn.softmax((mixture_logits + g) / TAU, axis=-1)
    means = mixture_weights @ mix_means
    log_vars = mixture_weights @ mix_logvars
    std = jnp.exp(0.5 * log_vars)
    eps = jax.random.normal(jax.random.key(2), std.shape, dtype=jnp.float32)
    z = means + eps * std
    # NetworkDecoder
    nd = jax.nn.relu(z @ ndW1 + ndb1)
    edge_predictions = jax.nn.sigmoid(nd @ ndW2 + ndb2).squeeze(-1)
    # AttributeDecoder
    ad = jax.nn.relu(z @ adW1 + adb1)
    attribute_reconstructions = ad @ adW2 + adb2
    return (edge_predictions, attribute_reconstructions, z, means, log_vars, mixture_weights, mixture_logits)

if __name__ == "__main__":
    import jax
    _d = setup_inputs()
    print(jax.jit(kernel)(*tuple(_d.values())))

</pallas_src>

<mosaic_0001>
#map = affine_map<(d0, d1) -> (0)>
#map1 = affine_map<(d0, d1) -> (0, 0)>
module attributes {stable_mosaic.version = 14 : i64} {
  func.func @_sc_degree(%arg0: i32, %arg1: i32, %arg2: memref<160000xi32, #tpu.memory_space<hbm>>, %arg3: memref<32x10000xf32, #tpu.memory_space<hbm>>, %arg4: memref<5016xi32, #tpu.memory_space<vmem>>, %arg5: memref<10000xf32, #tpu.memory_space<vmem>>) attributes {dimension_semantics = [#tpu.dimension_semantics<core_parallel>, #tpu.dimension_semantics<subcore_parallel>], iteration_bounds = array<i64: 2, 16>, scalar_prefetch = 0 : i64, scratch_operands = 2 : i64, tpu.core_type = #tpu.core_type<sc_vector_subcore>, window_params = [{transform_indices = #map}, {transform_indices = #map1}]} {
    %mul3A = arith.constant 2 : i32
    %mul3A_0 = arith.muli %arg1, %mul3A : i32
    %add3A = arith.addi %mul3A_0, %arg0 : i32
    %scan3A = arith.constant 0 : i32
    %scan3A_1 = arith.constant 0 : i32
    %scan3A_2 = arith.constant 625 : i32
    %scan3A_3 = arith.addi %scan3A_1, %scan3A_2 : i32
    %scan3A_4 = arith.constant 1 : i32
    scf.for %scan3A_21 = %scan3A_1 to %scan3A_3 step %scan3A_4  : i32 {
      %broadcast_in_dim3A_22 = arith.constant 0.000000e+00 : f32
      %broadcast_in_dim3A_23 = vector.broadcast %broadcast_in_dim3A_22 : f32 to vector<16xf32>
      %mul3A_24 = arith.constant 16 : i32
      %mul3A_25 = arith.muli %scan3A_21, %mul3A_24 : i32
      %swap3A_26 = arith.index_cast %mul3A_25 : i32 to index
      %swap3A_27 = tpu.vector_load %arg5[%swap3A_26] {strides = array<i32>} : memref<10000xf32, #tpu.memory_space<vmem>>, vector<16xf32>,
      tpu.vector_store %arg5[%swap3A_26], %broadcast_in_dim3A_23 {strides = array<i32>} : memref<10000xf32, #tpu.memory_space<vmem>>, vector<16xf32>,
    }
    %scan3A_5 = arith.constant 625 : i32
    %broadcast_in_dim3A = arith.constant 0 : i32
    %broadcast_in_dim3A_6 = vector.broadcast %broadcast_in_dim3A : i32 to vector<16xi32>
    %swap3A = arith.constant 5000 : index
    %swap3A_7 = tpu.vector_load %arg4[%swap3A] {strides = array<i32>} : memref<5016xi32, #tpu.memory_space<vmem>>, vector<16xi32>,
    tpu.vector_store %arg4[%swap3A], %broadcast_in_dim3A_6 {strides = array<i32>} : memref<5016xi32, #tpu.memory_space<vmem>>, vector<16xi32>,
    %mul3A_8 = arith.constant 5000 : i32
    %mul3A_9 = arith.muli %add3A, %mul3A_8 : i32
    "tpu.region"() ({
      %run_scoped3A = tpu.sem_alloc : memref<!tpu.dma_semaphore, #tpu.memory_space<semaphore_mem>>
      %dma_start3A = arith.constant 0 : i32
      %dma_start3A_21 = tpu.memref_slice %arg4[%dma_start3A] : memref<5016xi32, #tpu.memory_space<vmem>> -> memref<5000xi32, #tpu.memory_space<vmem>>
      %dma_start3A_22 = tpu.memref_slice %arg2[%mul3A_9] : memref<160000xi32, #tpu.memory_space<hbm>> -> memref<5000xi32, #tpu.memory_space<hbm>>
      %dma_start3A_23 = arith.constant 0 : i32
      %dma_start3A_24 = tpu.memref_slice %arg4[%dma_start3A_23] : memref<5016xi32, #tpu.memory_space<vmem>> -> memref<5000xi32, #tpu.memory_space<vmem>>
      %dma_start3A_25 = tpu.memref_slice %arg2[%mul3A_9] : memref<160000xi32, #tpu.memory_space<hbm>> -> memref<5000xi32, #tpu.memory_space<hbm>>
      tpu.enqueue_dma source(%dma_start3A_25 : memref<5000xi32, #tpu.memory_space<hbm>>) target(%dma_start3A_24 : memref<5000xi32, #tpu.memory_space<vmem>>) target_semaphore(%run_scoped3A : memref<!tpu.dma_semaphore, #tpu.memory_space<semaphore_mem>>)
      %dma_wait3A = arith.constant 0 : i32
      %dma_wait3A_26 = tpu.memref_slice %arg4[%dma_wait3A] : memref<5016xi32, #tpu.memory_space<vmem>> -> memref<5000xi32, #tpu.memory_space<vmem>>
      %dma_wait3A_27 = tpu.memref_slice %arg2[%mul3A_9] : memref<160000xi32, #tpu.memory_space<hbm>> -> memref<5000xi32, #tpu.memory_space<hbm>>
      %dma_wait3A_28 = arith.constant 0 : i32
      %dma_wait3A_29 = tpu.memref_slice %arg4[%dma_wait3A_28] : memref<5016xi32, #tpu.memory_space<vmem>> -> memref<5000xi32, #tpu.memory_space<vmem>>
      %dma_wait3A_30 = tpu.memref_slice %arg2[%mul3A_9] : memref<160000xi32, #tpu.memory_space<hbm>> -> memref<5000xi32, #tpu.memory_space<hbm>>
      tpu.wait_dma2 semaphore(%run_scoped3A : memref<!tpu.dma_semaphore, #tpu.memory_space<semaphore_mem>>) src(%dma_wait3A_30 : memref<5000xi32, #tpu.memory_space<hbm>>) dst(%dma_wait3A_29 : memref<5000xi32, #tpu.memory_space<vmem>>)
      tpu.yield
    }) : () -> ()
    %broadcast_in_dim3A_10 = arith.constant 1.000000e+00 : f32
    %broadcast_in_dim3A_11 = vector.broadcast %broadcast_in_dim3A_10 : f32 to vector<16xf32>
    %scan3A_12 = arith.constant 0 : i32
    %scan3A_13 = arith.constant 0 : i32
    %scan3A_14 = arith.constant 312 : i32
    %scan3A_15 = arith.addi %scan3A_13, %scan3A_14 : i32
    %scan3A_16 = arith.constant 1 : i32
    scf.for %scan3A_21 = %scan3A_13 to %scan3A_15 step %scan3A_16  : i32 {
      %mul3A_22 = arith.constant 16 : i32
      %mul3A_23 = arith.muli %scan3A_21, %mul3A_22 : i32
      %get3A_24 = arith.index_cast %mul3A_23 : i32 to index
      %get3A_25 = tpu.vector_load %arg4[%get3A_24] {strides = array<i32>} : memref<5016xi32, #tpu.memory_space<vmem>>, vector<16xi32>,
      tpu.vector_store_idx %arg5[%get3A_25], %broadcast_in_dim3A_11 {add = true} : memref<10000xf32, #tpu.memory_space<vmem>>[vector<16xi32>], vector<16xf32>,
    }
    %scan3A_17 = arith.constant 312 : i32
    %get3A = arith.constant 4992 : index
    %get3A_18 = tpu.vector_load %arg4[%get3A] {strides = array<i32>} : memref<5016xi32, #tpu.memory_space<vmem>>, vector<16xi32>,
    %iota3A = tpu.iota {dimensions = array<i32: 0>} : vector<16xi32>
    %lt3A = arith.constant 8 : i32
    %lt3A_19 = vector.broadcast %lt3A : i32 to vector<16xi32>
    %lt3A_20 = arith.cmpi slt, %iota3A, %lt3A_19 : vector<16xi32>
    tpu.vector_store_idx %arg5[%get3A_18], %broadcast_in_dim3A_11 masked %lt3A_20 {add = true} : memref<10000xf32, #tpu.memory_space<vmem>>[vector<16xi32>], vector<16xf32>, vector<16xi1>
    "tpu.region"() ({
      %run_scoped3A = tpu.sem_alloc : memref<!tpu.dma_semaphore, #tpu.memory_space<semaphore_mem>>
      %dma_start3A = arith.constant 0 : i32
      %dma_start3A_21 = tpu.memref_slice %arg3[%add3A, %dma_start3A] : memref<32x10000xf32, #tpu.memory_space<hbm>> -> memref<1x10000xf32, #tpu.memory_space<hbm>>
      %dma_start3A_22 = tpu.memref_squeeze %dma_start3A_21 : memref<1x10000xf32, #tpu.memory_space<hbm>> -> memref<10000xf32, #tpu.memory_space<hbm>>
      %dma_start3A_23 = arith.constant 0 : i32
      %dma_start3A_24 = tpu.memref_slice %arg3[%add3A, %dma_start3A_23] : memref<32x10000xf32, #tpu.memory_space<hbm>> -> memref<1x10000xf32, #tpu.memory_space<hbm>>
      %dma_start3A_25 = tpu.memref_squeeze %dma_start3A_24 : memref<1x10000xf32, #tpu.memory_space<hbm>> -> memref<10000xf32, #tpu.memory_space<hbm>>
      tpu.enqueue_dma source(%arg5 : memref<10000xf32, #tpu.memory_space<vmem>>) target(%dma_start3A_25 : memref<10000xf32, #tpu.memory_space<hbm>>) target_semaphore(%run_scoped3A : memref<!tpu.dma_semaphore, #tpu.memory_space<semaphore_mem>>)
      %dma_wait3A = arith.constant 0 : i32
      %dma_wait3A_26 = tpu.memref_slice %arg3[%add3A, %dma_wait3A] : memref<32x10000xf32, #tpu.memory_space<hbm>> -> memref<1x10000xf32, #tpu.memory_space<hbm>>
      %dma_wait3A_27 = tpu.memref_squeeze %dma_wait3A_26 : memref<1x10000xf32, #tpu.memory_space<hbm>> -> memref<10000xf32, #tpu.memory_space<hbm>>
      %dma_wait3A_28 = arith.constant 0 : i32
      %dma_wait3A_29 = tpu.memref_slice %arg3[%add3A, %dma_wait3A_28] : memref<32x10000xf32, #tpu.memory_space<hbm>> -> memref<1x10000xf32, #tpu.memory_space<hbm>>
      %dma_wait3A_30 = tpu.memref_squeeze %dma_wait3A_29 : memref<1x10000xf32, #tpu.memory_space<hbm>> -> memref<10000xf32, #tpu.memory_space<hbm>>
      tpu.wait_dma2 semaphore(%run_scoped3A : memref<!tpu.dma_semaphore, #tpu.memory_space<semaphore_mem>>) src(%arg5 : memref<10000xf32, #tpu.memory_space<vmem>>) dst(%dma_wait3A_30 : memref<10000xf32, #tpu.memory_space<hbm>>)
      tpu.yield
    }) : () -> ()
    return
  }
}

#map = affine_map<(d0, d1) -> (0, 0)>
#map1 = affine_map<(d0, d1) -> (0, 0, 0)>
module attributes {stable_mosaic.version = 14 : i64} {
  func.func @_sc_edge_gather(%arg0: i32, %arg1: i32, %arg2: memref<10000x128xf32, #tpu.memory_space<hbm>>, %arg3: memref<10000x128xf32, #tpu.memory_space<hbm>>, %arg4: memref<32x125x40xi32, #tpu.memory_space<hbm>>, %arg5: memref<32x125x40xi32, #tpu.memory_space<hbm>>, %arg6: memref<160000x128xf32, #tpu.memory_space<hbm>>, %arg7: memref<160000x128xf32, #tpu.memory_space<hbm>>, %arg8: memref<125x40xi32, #tpu.memory_space<vmem>>, %arg9: memref<125x40xi32, #tpu.memory_space<vmem>>, %arg10: memref<40x128xf32, #tpu.memory_space<vmem>>, %arg11: memref<40x128xf32, #tpu.memory_space<vmem>>, %arg12: memref<!tpu.dma_semaphore, #tpu.memory_space<semaphore_mem>>, %arg13: memref<!tpu.dma_semaphore, #tpu.memory_space<semaphore_mem>>) attributes {dimension_semantics = [#tpu.dimension_semantics<core_parallel>, #tpu.dimension_semantics<subcore_parallel>], iteration_bounds = array<i64: 2, 16>, scalar_prefetch = 0 : i64, scratch_operands = 6 : i64, tpu.core_type = #tpu.core_type<sc_vector_subcore>, window_params = [{transform_indices = #map}, {transform_indices = #map}, {transform_indices = #map1}, {transform_indices = #map1}, {transform_indices = #map}, {transform_indices = #map}]} {
    %mul3A = arith.constant 2 : i32
    %mul3A_0 = arith.muli %arg1, %mul3A : i32
    %add3A = arith.addi %mul3A_0, %arg0 : i32
    %mul3A_1 = arith.constant 5000 : i32
    %mul3A_2 = arith.muli %add3A, %mul3A_1 : i32
    "tpu.region"() ({
      %run_scoped3A = tpu.sem_alloc : memref<!tpu.dma_semaphore, #tpu.memory_space<semaphore_mem>>
      %dma_start3A = arith.constant 0 : i32
      %dma_start3A_8 = arith.constant 0 : i32
      %dma_start3A_9 = tpu.memref_slice %arg4[%add3A, %dma_start3A, %dma_start3A_8] : memref<32x125x40xi32, #tpu.memory_space<hbm>> -> memref<1x125x40xi32, #tpu.memory_space<hbm>>
      %dma_start3A_10 = tpu.memref_squeeze %dma_start3A_9 : memref<1x125x40xi32, #tpu.memory_space<hbm>> -> memref<125x40xi32, #tpu.memory_space<hbm>>
      %dma_start3A_11 = arith.constant 0 : i32
      %dma_start3A_12 = arith.constant 0 : i32
      %dma_start3A_13 = tpu.memref_slice %arg4[%add3A, %dma_start3A_11, %dma_start3A_12] : memref<32x125x40xi32, #tpu.memory_space<hbm>> -> memref<1x125x40xi32, #tpu.memory_space<hbm>>
      %dma_start3A_14 = tpu.memref_squeeze %dma_start3A_13 : memref<1x125x40xi32, #tpu.memory_space<hbm>> -> memref<125x40xi32, #tpu.memory_space<hbm>>
      tpu.enqueue_dma source(%dma_start3A_14 : memref<125x40xi32, #tpu.memory_space<hbm>>) target(%arg8 : memref<125x40xi32, #tpu.memory_space<vmem>>) target_semaphore(%run_scoped3A : memref<!tpu.dma_semaphore, #tpu.memory_space<semaphore_mem>>)
      %dma_wait3A = arith.constant 0 : i32
      %dma_wait3A_15 = arith.constant 0 : i32
      %dma_wait3A_16 = tpu.memref_slice %arg4[%add3A, %dma_wait3A, %dma_wait3A_15] : memref<32x125x40xi32, #tpu.memory_space<hbm>> -> memref<1x125x40xi32, #tpu.memory_space<hbm>>
      %dma_wait3A_17 = tpu.memref_squeeze %dma_wait3A_16 : memref<1x125x40xi32, #tpu.memory_space<hbm>> -> memref<125x40xi32, #tpu.memory_space<hbm>>
      %dma_wait3A_18 = arith.constant 0 : i32
      %dma_wait3A_19 = arith.constant 0 : i32
      %dma_wait3A_20 = tpu.memref_slice %arg4[%add3A, %dma_wait3A_18, %dma_wait3A_19] : memref<32x125x40xi32, #tpu.memory_space<hbm>> -> memref<1x125x40xi32, #tpu.memory_space<hbm>>
      %dma_wait3A_21 = tpu.memref_squeeze %dma_wait3A_20 : memref<1x125x40xi32, #tpu.memory_space<hbm>> -> memref<125x40xi32, #tpu.memory_space<hbm>>
      tpu.wait_dma2 semaphore(%run_scoped3A : memref<!tpu.dma_semaphore, #tpu.memory_space<semaphore_mem>>) src(%dma_wait3A_21 : memref<125x40xi32, #tpu.memory_space<hbm>>) dst(%arg8 : memref<125x40xi32, #tpu.memory_space<vmem>>)
      tpu.yield
    }) : () -> ()
    "tpu.region"() ({
      %run_scoped3A = tpu.sem_alloc : memref<!tpu.dma_semaphore, #tpu.memory_space<semaphore_mem>>
      %dma_start3A = arith.constant 0 : i32
      %dma_start3A_8 = arith.constant 0 : i32
      %dma_start3A_9 = tpu.memref_slice %arg5[%add3A, %dma_start3A, %dma_start3A_8] : memref<32x125x40xi32, #tpu.memory_space<hbm>> -> memref<1x125x40xi32, #tpu.memory_space<hbm>>
      %dma_start3A_10 = tpu.memref_squeeze %dma_start3A_9 : memref<1x125x40xi32, #tpu.memory_space<hbm>> -> memref<125x40xi32, #tpu.memory_space<hbm>>
      %dma_start3A_11 = arith.constant 0 : i32
      %dma_start3A_12 = arith.constant 0 : i32
      %dma_start3A_13 = tpu.memref_slice %arg5[%add3A, %dma_start3A_11, %dma_start3A_12] : memref<32x125x40xi32, #tpu.memory_space<hbm>> -> memref<1x125x40xi32, #tpu.memory_space<hbm>>
      %dma_start3A_14 = tpu.memref_squeeze %dma_start3A_13 : memref<1x125x40xi32, #tpu.memory_space<hbm>> -> memref<125x40xi32, #tpu.memory_space<hbm>>
      tpu.enqueue_dma source(%dma_start3A_14 : memref<125x40xi32, #tpu.memory_space<hbm>>) target(%arg9 : memref<125x40xi32, #tpu.memory_space<vmem>>) target_semaphore(%run_scoped3A : memref<!tpu.dma_semaphore, #tpu.memory_space<semaphore_mem>>)
      %dma_wait3A = arith.constant 0 : i32
      %dma_wait3A_15 = arith.constant 0 : i32
      %dma_wait3A_16 = tpu.memref_slice %arg5[%add3A, %dma_wait3A, %dma_wait3A_15] : memref<32x125x40xi32, #tpu.memory_space<hbm>> -> memref<1x125x40xi32, #tpu.memory_space<hbm>>
      %dma_wait3A_17 = tpu.memref_squeeze %dma_wait3A_16 : memref<1x125x40xi32, #tpu.memory_space<hbm>> -> memref<125x40xi32, #tpu.memory_space<hbm>>
      %dma_wait3A_18 = arith.constant 0 : i32
      %dma_wait3A_19 = arith.constant 0 : i32
      %dma_wait3A_20 = tpu.memref_slice %arg5[%add3A, %dma_wait3A_18, %dma_wait3A_19] : memref<32x125x40xi32, #tpu.memory_space<hbm>> -> memref<1x125x40xi32, #tpu.memory_space<hbm>>
      %dma_wait3A_21 = tpu.memref_squeeze %dma_wait3A_20 : memref<1x125x40xi32, #tpu.memory_space<hbm>> -> memref<125x40xi32, #tpu.memory_space<hbm>>
      tpu.wait_dma2 semaphore(%run_scoped3A : memref<!tpu.dma_semaphore, #tpu.memory_space<semaphore_mem>>) src(%dma_wait3A_21 : memref<125x40xi32, #tpu.memory_space<hbm>>) dst(%arg9 : memref<125x40xi32, #tpu.memory_space<vmem>>)
      tpu.yield
    }) : () -> ()
    %scan3A = arith.constant 0 : i32
    %scan3A_3 = arith.constant 0 : i32
    %scan3A_4 = arith.constant 125 : i32
    %scan3A_5 = arith.addi %scan3A_3, %scan3A_4 : i32
    %scan3A_6 = arith.constant 1 : i32
    scf.for %scan3A_8 = %scan3A_3 to %scan3A_5 step %scan3A_6  : i32 {
      %dma_start3A = arith.constant 0 : i32
      %dma_start3A_9 = tpu.memref_slice %arg8[%scan3A_8, %dma_start3A] : memref<125x40xi32, #tpu.memory_space<vmem>> -> memref<1x40xi32, #tpu.memory_space<vmem>>
      %dma_start3A_10 = tpu.memref_squeeze %dma_start3A_9 : memref<1x40xi32, #tpu.memory_space<vmem>> -> memref<40xi32, #tpu.memory_space<vmem>>
      %dma_start3A_11 = arith.constant 0 : i32
      %dma_start3A_12 = arith.constant 0 : i32
      %dma_start3A_13 = tpu.memref_slice %arg2[%dma_start3A_11, %dma_start3A_12] : memref<10000x128xf32, #tpu.memory_space<hbm>> -> memref<10000x128xf32, #tpu.memory_space<hbm>>
      tpu.enqueue_indirect_dma source(%dma_start3A_13 : memref<10000x128xf32, #tpu.memory_space<hbm>>) target(%arg10 : memref<40x128xf32, #tpu.memory_space<vmem>>) offsets(%dma_start3A_10 : memref<40xi32, #tpu.memory_space<vmem>>) semaphore(%arg12 : memref<!tpu.dma_semaphore, #tpu.memory_space<semaphore_mem>>)
      %dma_start3A_14 = arith.constant 0 : i32
      %dma_start3A_15 = tpu.memref_slice %arg9[%scan3A_8, %dma_start3A_14] : memref<125x40xi32, #tpu.memory_space<vmem>> -> memref<1x40xi32, #tpu.memory_space<vmem>>
      %dma_start3A_16 = tpu.memref_squeeze %dma_start3A_15 : memref<1x40xi32, #tpu.memory_space<vmem>> -> memref<40xi32, #tpu.memory_space<vmem>>
      %dma_start3A_17 = arith.constant 0 : i32
      %dma_start3A_18 = arith.constant 0 : i32
      %dma_start3A_19 = tpu.memref_slice %arg3[%dma_start3A_17, %dma_start3A_18] : memref<10000x128xf32, #tpu.memory_space<hbm>> -> memref<10000x128xf32, #tpu.memory_space<hbm>>
      tpu.enqueue_indirect_dma source(%dma_start3A_19 : memref<10000x128xf32, #tpu.memory_space<hbm>>) target(%arg11 : memref<40x128xf32, #tpu.memory_space<vmem>>) offsets(%dma_start3A_16 : memref<40xi32, #tpu.memory_space<vmem>>) semaphore(%arg13 : memref<!tpu.dma_semaphore, #tpu.memory_space<semaphore_mem>>)
      %dma_wait3A = arith.constant 0 : i32
      %dma_wait3A_20 = tpu.memref_slice %arg8[%scan3A_8, %dma_wait3A] : memref<125x40xi32, #tpu.memory_space<vmem>> -> memref<1x40xi32, #tpu.memory_space<vmem>>
      %dma_wait3A_21 = tpu.memref_squeeze %dma_wait3A_20 : memref<1x40xi32, #tpu.memory_space<vmem>> -> memref<40xi32, #tpu.memory_space<vmem>>
      %dma_wait3A_22 = arith.constant 0 : i32
      %dma_wait3A_23 = arith.constant 0 : i32
      %dma_wait3A_24 = tpu.memref_slice %arg2[%dma_wait3A_22, %dma_wait3A_23] : memref<10000x128xf32, #tpu.memory_space<hbm>> -> memref<10000x128xf32, #tpu.memory_space<hbm>>
      tpu.wait_indirect_dma semaphore(%arg12 : memref<!tpu.dma_semaphore, #tpu.memory_space<semaphore_mem>>) src(%dma_wait3A_24 : memref<10000x128xf32, #tpu.memory_space<hbm>>) dst(%arg10 : memref<40x128xf32, #tpu.memory_space<vmem>>)
      %dma_wait3A_25 = arith.constant 0 : i32
      %dma_wait3A_26 = tpu.memref_slice %arg9[%scan3A_8, %dma_wait3A_25] : memref<125x40xi32, #tpu.memory_space<vmem>> -> memref<1x40xi32, #tpu.memory_space<vmem>>
      %dma_wait3A_27 = tpu.memref_squeeze %dma_wait3A_26 : memref<1x40xi32, #tpu.memory_space<vmem>> -> memref<40xi32, #tpu.memory_space<vmem>>
      %dma_wait3A_28 = arith.constant 0 : i32
      %dma_wait3A_29 = arith.constant 0 : i32
      %dma_wait3A_30 = tpu.memref_slice %arg3[%dma_wait3A_28, %dma_wait3A_29] : memref<10000x128xf32, #tpu.memory_space<hbm>> -> memref<10000x128xf32, #tpu.memory_space<hbm>>
      tpu.wait_indirect_dma semaphore(%arg13 : memref<!tpu.dma_semaphore, #tpu.memory_space<semaphore_mem>>) src(%dma_wait3A_30 : memref<10000x128xf32, #tpu.memory_space<hbm>>) dst(%arg11 : memref<40x128xf32, #tpu.memory_space<vmem>>)
      %mul3A_31 = arith.constant 40 : i32
      %mul3A_32 = arith.muli %scan3A_8, %mul3A_31 : i32
      %add3A_33 = arith.addi %mul3A_2, %mul3A_32 : i32
      "tpu.region"() ({
        %run_scoped3A = tpu.sem_alloc : memref<!tpu.dma_semaphore, #tpu.memory_space<semaphore_mem>>
        %dma_start3A_37 = arith.constant 0 : i32
        %dma_start3A_38 = tpu.memref_slice %arg6[%add3A_33, %dma_start3A_37] : memref<160000x128xf32, #tpu.memory_space<hbm>> -> memref<40x128xf32, #tpu.memory_space<hbm>>
        %dma_start3A_39 = arith.constant 0 : i32
        %dma_start3A_40 = tpu.memref_slice %arg6[%add3A_33, %dma_start3A_39] : memref<160000x128xf32, #tpu.memory_space<hbm>> -> memref<40x128xf32, #tpu.memory_space<hbm>>
        tpu.enqueue_dma source(%arg10 : memref<40x128xf32, #tpu.memory_space<vmem>>) target(%dma_start3A_40 : memref<40x128xf32, #tpu.memory_space<hbm>>) target_semaphore(%run_scoped3A : memref<!tpu.dma_semaphore, #tpu.memory_space<semaphore_mem>>)
        %dma_wait3A_41 = arith.constant 0 : i32
        %dma_wait3A_42 = tpu.memref_slice %arg6[%add3A_33, %dma_wait3A_41] : memref<160000x128xf32, #tpu.memory_space<hbm>> -> memref<40x128xf32, #tpu.memory_space<hbm>>
        %dma_wait3A_43 = arith.constant 0 : i32
        %dma_wait3A_44 = tpu.memref_slice %arg6[%add3A_33, %dma_wait3A_43] : memref<160000x128xf32, #tpu.memory_space<hbm>> -> memref<40x128xf32, #tpu.memory_space<hbm>>
        tpu.wait_dma2 semaphore(%run_scoped3A : memref<!tpu.dma_semaphore, #tpu.memory_space<semaphore_mem>>) src(%arg10 : memref<40x128xf32, #tpu.memory_space<vmem>>) dst(%dma_wait3A_44 : memref<40x128xf32, #tpu.memory_space<hbm>>)
        tpu.yield
      }) : () -> ()
      %mul3A_34 = arith.constant 40 : i32
      %mul3A_35 = arith.muli %scan3A_8, %mul3A_34 : i32
      %add3A_36 = arith.addi %mul3A_2, %mul3A_35 : i32
      "tpu.region"() ({
        %run_scoped3A = tpu.sem_alloc : memref<!tpu.dma_semaphore, #tpu.memory_space<semaphore_mem>>
        %dma_start3A_37 = arith.constant 0 : i32
        %dma_start3A_38 = tpu.memref_slice %arg7[%add3A_36, %dma_start3A_37] : memref<160000x128xf32, #tpu.memory_space<hbm>> -> memref<40x128xf32, #tpu.memory_space<hbm>>
        %dma_start3A_39 = arith.constant 0 : i32
        %dma_start3A_40 = tpu.memref_slice %arg7[%add3A_36, %dma_start3A_39] : memref<160000x128xf32, #tpu.memory_space<hbm>> -> memref<40x128xf32, #tpu.memory_space<hbm>>
        tpu.enqueue_dma source(%arg11 : memref<40x128xf32, #tpu.memory_space<vmem>>) target(%dma_start3A_40 : memref<40x128xf32, #tpu.memory_space<hbm>>) target_semaphore(%run_scoped3A : memref<!tpu.dma_semaphore, #tpu.memory_space<semaphore_mem>>)
        %dma_wait3A_41 = arith.constant 0 : i32
        %dma_wait3A_42 = tpu.memref_slice %arg7[%add3A_36, %dma_wait3A_41] : memref<160000x128xf32, #tpu.memory_space<hbm>> -> memref<40x128xf32, #tpu.memory_space<hbm>>
        %dma_wait3A_43 = arith.constant 0 : i32
        %dma_wait3A_44 = tpu.memref_slice %arg7[%add3A_36, %dma_wait3A_43] : memref<160000x128xf32, #tpu.memory_space<hbm>> -> memref<40x128xf32, #tpu.memory_space<hbm>>
        tpu.wait_dma2 semaphore(%run_scoped3A : memref<!tpu.dma_semaphore, #tpu.memory_space<semaphore_mem>>) src(%arg11 : memref<40x128xf32, #tpu.memory_space<vmem>>) dst(%dma_wait3A_44 : memref<40x128xf32, #tpu.memory_space<hbm>>)
        tpu.yield
      }) : () -> ()
    }
    %scan3A_7 = arith.constant 125 : i32
    return
  }
}

#map = affine_map<(d0, d1) -> (0, 0)>
#map1 = affine_map<(d0, d1) -> (0, 0, 0)>
module attributes {stable_mosaic.version = 14 : i64} {
  func.func @_sc_aggregate(%arg0: i32, %arg1: i32, %arg2: memref<10000x128xf32, #tpu.memory_space<hbm>>, %arg3: memref<32x125x40xi32, #tpu.memory_space<hbm>>, %arg4: memref<32x125x40xi32, #tpu.memory_space<hbm>>, %arg5: memref<640x128xf32, #tpu.memory_space<hbm>>, %arg6: memref<2x10000x128xf32, #tpu.memory_space<hbm>>, %arg7: memref<125x40xi32, #tpu.memory_space<vmem>>, %arg8: memref<125x40xi32, #tpu.memory_space<vmem>>, %arg9: memref<40x128xf32, #tpu.memory_space<vmem>>, %arg10: memref<10000x128xf32, #tpu.memory_space<vmem_shared>>, %arg11: memref<!tpu.dma_semaphore, #tpu.memory_space<semaphore_mem>>) attributes {dimension_semantics = [#tpu.dimension_semantics<core_parallel>, #tpu.dimension_semantics<subcore_parallel>], iteration_bounds = array<i64: 2, 16>, scalar_prefetch = 0 : i64, scratch_operands = 5 : i64, tpu.core_type = #tpu.core_type<sc_vector_subcore>, window_params = [{transform_indices = #map}, {transform_indices = #map1}, {transform_indices = #map1}, {transform_indices = #map}, {transform_indices = #map1}]} {
    %mul3A = arith.constant 2 : i32
    %mul3A_0 = arith.muli %arg1, %mul3A : i32
    %add3A = arith.addi %mul3A_0, %arg0 : i32
    "tpu.region"() ({
      %run_scoped3A = tpu.sem_alloc : memref<!tpu.dma_semaphore, #tpu.memory_space<semaphore_mem>>
      %dma_start3A = arith.constant 0 : i32
      %dma_start3A_10 = arith.constant 0 : i32
      %dma_start3A_11 = tpu.memref_slice %arg3[%add3A, %dma_start3A, %dma_start3A_10] : memref<32x125x40xi32, #tpu.memory_space<hbm>> -> memref<1x125x40xi32, #tpu.memory_space<hbm>>
      %dma_start3A_12 = tpu.memref_squeeze %dma_start3A_11 : memref<1x125x40xi32, #tpu.memory_space<hbm>> -> memref<125x40xi32, #tpu.memory_space<hbm>>
      %dma_start3A_13 = arith.constant 0 : i32
      %dma_start3A_14 = arith.constant 0 : i32
      %dma_start3A_15 = tpu.memref_slice %arg3[%add3A, %dma_start3A_13, %dma_start3A_14] : memref<32x125x40xi32, #tpu.memory_space<hbm>> -> memref<1x125x40xi32, #tpu.memory_space<hbm>>
      %dma_start3A_16 = tpu.memref_squeeze %dma_start3A_15 : memref<1x125x40xi32, #tpu.memory_space<hbm>> -> memref<125x40xi32, #tpu.memory_space<hbm>>
      tpu.enqueue_dma source(%dma_start3A_16 : memref<125x40xi32, #tpu.memory_space<hbm>>) target(%arg7 : memref<125x40xi32, #tpu.memory_space<vmem>>) target_semaphore(%run_scoped3A : memref<!tpu.dma_semaphore, #tpu.memory_space<semaphore_mem>>)
      %dma_wait3A = arith.constant 0 : i32
      %dma_wait3A_17 = arith.constant 0 : i32
      %dma_wait3A_18 = tpu.memref_slice %arg3[%add3A, %dma_wait3A, %dma_wait3A_17] : memref<32x125x40xi32, #tpu.memory_space<hbm>> -> memref<1x125x40xi32, #tpu.memory_space<hbm>>
      %dma_wait3A_19 = tpu.memref_squeeze %dma_wait3A_18 : memref<1x125x40xi32, #tpu.memory_space<hbm>> -> memref<125x40xi32, #tpu.memory_space<hbm>>
      %dma_wait3A_20 = arith.constant 0 : i32
      %dma_wait3A_21 = arith.constant 0 : i32
      %dma_wait3A_22 = tpu.memref_slice %arg3[%add3A, %dma_wait3A_20, %dma_wait3A_21] : memref<32x125x40xi32, #tpu.memory_space<hbm>> -> memref<1x125x40xi32, #tpu.memory_space<hbm>>
      %dma_wait3A_23 = tpu.memref_squeeze %dma_wait3A_22 : memref<1x125x40xi32, #tpu.memory_space<hbm>> -> memref<125x40xi32, #tpu.memory_space<hbm>>
      tpu.wait_dma2 semaphore(%run_scoped3A : memref<!tpu.dma_semaphore, #tpu.memory_space<semaphore_mem>>) src(%dma_wait3A_23 : memref<125x40xi32, #tpu.memory_space<hbm>>) dst(%arg7 : memref<125x40xi32, #tpu.memory_space<vmem>>)
      tpu.yield
    }) : () -> ()
    "tpu.region"() ({
      %run_scoped3A = tpu.sem_alloc : memref<!tpu.dma_semaphore, #tpu.memory_space<semaphore_mem>>
      %dma_start3A = arith.constant 0 : i32
      %dma_start3A_10 = arith.constant 0 : i32
      %dma_start3A_11 = tpu.memref_slice %arg4[%add3A, %dma_start3A, %dma_start3A_10] : memref<32x125x40xi32, #tpu.memory_space<hbm>> -> memref<1x125x40xi32, #tpu.memory_space<hbm>>
      %dma_start3A_12 = tpu.memref_squeeze %dma_start3A_11 : memref<1x125x40xi32, #tpu.memory_space<hbm>> -> memref<125x40xi32, #tpu.memory_space<hbm>>
      %dma_start3A_13 = arith.constant 0 : i32
      %dma_start3A_14 = arith.constant 0 : i32
      %dma_start3A_15 = tpu.memref_slice %arg4[%add3A, %dma_start3A_13, %dma_start3A_14] : memref<32x125x40xi32, #tpu.memory_space<hbm>> -> memref<1x125x40xi32, #tpu.memory_space<hbm>>
      %dma_start3A_16 = tpu.memref_squeeze %dma_start3A_15 : memref<1x125x40xi32, #tpu.memory_space<hbm>> -> memref<125x40xi32, #tpu.memory_space<hbm>>
      tpu.enqueue_dma source(%dma_start3A_16 : memref<125x40xi32, #tpu.memory_space<hbm>>) target(%arg8 : memref<125x40xi32, #tpu.memory_space<vmem>>) target_semaphore(%run_scoped3A : memref<!tpu.dma_semaphore, #tpu.memory_space<semaphore_mem>>)
      %dma_wait3A = arith.constant 0 : i32
      %dma_wait3A_17 = arith.constant 0 : i32
      %dma_wait3A_18 = tpu.memref_slice %arg4[%add3A, %dma_wait3A, %dma_wait3A_17] : memref<32x125x40xi32, #tpu.memory_space<hbm>> -> memref<1x125x40xi32, #tpu.memory_space<hbm>>
      %dma_wait3A_19 = tpu.memref_squeeze %dma_wait3A_18 : memref<1x125x40xi32, #tpu.memory_space<hbm>> -> memref<125x40xi32, #tpu.memory_space<hbm>>
      %dma_wait3A_20 = arith.constant 0 : i32
      %dma_wait3A_21 = arith.constant 0 : i32
      %dma_wait3A_22 = tpu.memref_slice %arg4[%add3A, %dma_wait3A_20, %dma_wait3A_21] : memref<32x125x40xi32, #tpu.memory_space<hbm>> -> memref<1x125x40xi32, #tpu.memory_space<hbm>>
      %dma_wait3A_23 = tpu.memref_squeeze %dma_wait3A_22 : memref<1x125x40xi32, #tpu.memory_space<hbm>> -> memref<125x40xi32, #tpu.memory_space<hbm>>
      tpu.wait_dma2 semaphore(%run_scoped3A : memref<!tpu.dma_semaphore, #tpu.memory_space<semaphore_mem>>) src(%dma_wait3A_23 : memref<125x40xi32, #tpu.memory_space<hbm>>) dst(%arg8 : memref<125x40xi32, #tpu.memory_space<vmem>>)
      tpu.yield
    }) : () -> ()
    %mul3A_1 = arith.constant 640 : i32
    %mul3A_2 = arith.muli %arg1, %mul3A_1 : i32
    %min3A = arith.constant 9360 : i32
    %min3A_3 = arith.minsi %mul3A_2, %min3A : i32
    %multiple_of3A = tpu.assume_multiple %min3A_3, 8 : i32
    "tpu.region"() ({
      %run_scoped3A = tpu.sem_alloc : memref<!tpu.dma_semaphore, #tpu.memory_space<semaphore_mem>>
      %dma_start3A = arith.constant 0 : i32
      %dma_start3A_10 = tpu.memref_slice %arg10[%multiple_of3A, %dma_start3A] : memref<10000x128xf32, #tpu.memory_space<vmem_shared>> -> memref<640x128xf32, #tpu.memory_space<vmem_shared>>
      tpu.enqueue_dma source(%arg5 : memref<640x128xf32, #tpu.memory_space<hbm>>) target(%dma_start3A_10 : memref<640x128xf32, #tpu.memory_space<vmem_shared>>) target_semaphore(%run_scoped3A : memref<!tpu.dma_semaphore, #tpu.memory_space<semaphore_mem>>)
      %dma_wait3A = arith.constant 0 : i32
      %dma_wait3A_11 = tpu.memref_slice %arg10[%multiple_of3A, %dma_wait3A] : memref<10000x128xf32, #tpu.memory_space<vmem_shared>> -> memref<640x128xf32, #tpu.memory_space<vmem_shared>>
      tpu.wait_dma2 semaphore(%run_scoped3A : memref<!tpu.dma_semaphore, #tpu.memory_space<semaphore_mem>>) src(%arg5 : memref<640x128xf32, #tpu.memory_space<hbm>>) dst(%dma_wait3A_11 : memref<640x128xf32, #tpu.memory_space<vmem_shared>>)
      tpu.yield
    }) : () -> ()
    %barrier3A = arith.constant 0 : index
    tpu.barrier barrier_id(%barrier3A)
    %scan3A = arith.constant 0 : i32
    %scan3A_4 = arith.constant 0 : i32
    %scan3A_5 = arith.constant 125 : i32
    %scan3A_6 = arith.addi %scan3A_4, %scan3A_5 : i32
    %scan3A_7 = arith.constant 1 : i32
    scf.for %scan3A_10 = %scan3A_4 to %scan3A_6 step %scan3A_7  : i32 {
      %dma_start3A = arith.constant 0 : i32
      %dma_start3A_11 = tpu.memref_slice %arg7[%scan3A_10, %dma_start3A] : memref<125x40xi32, #tpu.memory_space<vmem>> -> memref<1x40xi32, #tpu.memory_space<vmem>>
      %dma_start3A_12 = tpu.memref_squeeze %dma_start3A_11 : memref<1x40xi32, #tpu.memory_space<vmem>> -> memref<40xi32, #tpu.memory_space<vmem>>
      %dma_start3A_13 = arith.constant 0 : i32
      %dma_start3A_14 = arith.constant 0 : i32
      %dma_start3A_15 = tpu.memref_slice %arg2[%dma_start3A_13, %dma_start3A_14] : memref<10000x128xf32, #tpu.memory_space<hbm>> -> memref<10000x128xf32, #tpu.memory_space<hbm>>
      tpu.enqueue_indirect_dma source(%dma_start3A_15 : memref<10000x128xf32, #tpu.memory_space<hbm>>) target(%arg9 : memref<40x128xf32, #tpu.memory_space<vmem>>) offsets(%dma_start3A_12 : memref<40xi32, #tpu.memory_space<vmem>>) semaphore(%arg11 : memref<!tpu.dma_semaphore, #tpu.memory_space<semaphore_mem>>)
      %dma_wait3A = arith.constant 0 : i32
      %dma_wait3A_16 = tpu.memref_slice %arg7[%scan3A_10, %dma_wait3A] : memref<125x40xi32, #tpu.memory_space<vmem>> -> memref<1x40xi32, #tpu.memory_space<vmem>>
      %dma_wait3A_17 = tpu.memref_squeeze %dma_wait3A_16 : memref<1x40xi32, #tpu.memory_space<vmem>> -> memref<40xi32, #tpu.memory_space<vmem>>
      %dma_wait3A_18 = arith.constant 0 : i32
      %dma_wait3A_19 = arith.constant 0 : i32
      %dma_wait3A_20 = tpu.memref_slice %arg2[%dma_wait3A_18, %dma_wait3A_19] : memref<10000x128xf32, #tpu.memory_space<hbm>> -> memref<10000x128xf32, #tpu.memory_space<hbm>>
      tpu.wait_indirect_dma semaphore(%arg11 : memref<!tpu.dma_semaphore, #tpu.memory_space<semaphore_mem>>) src(%dma_wait3A_20 : memref<10000x128xf32, #tpu.memory_space<hbm>>) dst(%arg9 : memref<40x128xf32, #tpu.memory_space<vmem>>)
      "tpu.region"() ({
        %run_scoped3A = tpu.sem_alloc : memref<!tpu.dma_semaphore, #tpu.memory_space<semaphore_mem>>
        %dma_start3A_21 = arith.constant 0 : i32
        %dma_start3A_22 = tpu.memref_slice %arg8[%scan3A_10, %dma_start3A_21] : memref<125x40xi32, #tpu.memory_space<vmem>> -> memref<1x40xi32, #tpu.memory_space<vmem>>
        %dma_start3A_23 = tpu.memref_squeeze %dma_start3A_22 : memref<1x40xi32, #tpu.memory_space<vmem>> -> memref<40xi32, #tpu.memory_space<vmem>>
        %dma_start3A_24 = arith.constant 0 : i32
        %dma_start3A_25 = arith.constant 0 : i32
        %dma_start3A_26 = tpu.memref_slice %arg10[%dma_start3A_24, %dma_start3A_25] : memref<10000x128xf32, #tpu.memory_space<vmem_shared>> -> memref<10000x128xf32, #tpu.memory_space<vmem_shared>>
        tpu.enqueue_indirect_dma source(%arg9 : memref<40x128xf32, #tpu.memory_space<vmem>>) target(%dma_start3A_26 : memref<10000x128xf32, #tpu.memory_space<vmem_shared>>) offsets(%dma_start3A_23 : memref<40xi32, #tpu.memory_space<vmem>>) semaphore(%run_scoped3A : memref<!tpu.dma_semaphore, #tpu.memory_space<semaphore_mem>>) {add = true}
        %dma_wait3A_27 = arith.constant 0 : i32
        %dma_wait3A_28 = tpu.memref_slice %arg8[%scan3A_10, %dma_wait3A_27] : memref<125x40xi32, #tpu.memory_space<vmem>> -> memref<1x40xi32, #tpu.memory_space<vmem>>
        %dma_wait3A_29 = tpu.memref_squeeze %dma_wait3A_28 : memref<1x40xi32, #tpu.memory_space<vmem>> -> memref<40xi32, #tpu.memory_space<vmem>>
        %dma_wait3A_30 = arith.constant 0 : i32
        %dma_wait3A_31 = arith.constant 0 : i32
        %dma_wait3A_32 = tpu.memref_slice %arg10[%dma_wait3A_30, %dma_wait3A_31] : memref<10000x128xf32, #tpu.memory_space<vmem_shared>> -> memref<10000x128xf32, #tpu.memory_space<vmem_shared>>
        tpu.wait_indirect_dma semaphore(%run_scoped3A : memref<!tpu.dma_semaphore, #tpu.memory_space<semaphore_mem>>) src(%arg9 : memref<40x128xf32, #tpu.memory_space<vmem>>) dst(%dma_wait3A_32 : memref<10000x128xf32, #tpu.memory_space<vmem_shared>>)
        tpu.yield
      }) : () -> ()
    }
    %scan3A_8 = arith.constant 125 : i32
    %barrier3A_9 = arith.constant 0 : index
    tpu.barrier barrier_id(%barrier3A_9)
    "tpu.region"() ({
      %run_scoped3A = tpu.sem_alloc : memref<!tpu.dma_semaphore, #tpu.memory_space<semaphore_mem>>
      %dma_start3A = arith.constant 0 : i32
      %dma_start3A_10 = arith.constant 0 : i32
      %dma_start3A_11 = tpu.memref_slice %arg6[%arg0, %dma_start3A, %dma_start3A_10] : memref<2x10000x128xf32, #tpu.memory_space<hbm>> -> memref<1x10000x128xf32, #tpu.memory_space<hbm>>
      %dma_start3A_12 = tpu.memref_squeeze %dma_start3A_11 : memref<1x10000x128xf32, #tpu.memory_space<hbm>> -> memref<10000x128xf32, #tpu.memory_space<hbm>>
      %dma_start3A_13 = arith.constant 0 : i32
      %dma_start3A_14 = tpu.memref_slice %dma_start3A_12[%multiple_of3A, %dma_start3A_13] : memref<10000x128xf32, #tpu.memory_space<hbm>> -> memref<640x128xf32, #tpu.memory_space<hbm>>
      %dma_start3A_15 = arith.constant 0 : i32
      %dma_start3A_16 = tpu.memref_slice %arg10[%multiple_of3A, %dma_start3A_15] : memref<10000x128xf32, #tpu.memory_space<vmem_shared>> -> memref<640x128xf32, #tpu.memory_space<vmem_shared>>
      tpu.enqueue_dma source(%dma_start3A_16 : memref<640x128xf32, #tpu.memory_space<vmem_shared>>) target(%dma_start3A_14 : memref<640x128xf32, #tpu.memory_space<hbm>>) target_semaphore(%run_scoped3A : memref<!tpu.dma_semaphore, #tpu.memory_space<semaphore_mem>>)
      %dma_wait3A = arith.constant 0 : i32
      %dma_wait3A_17 = arith.constant 0 : i32
      %dma_wait3A_18 = tpu.memref_slice %arg6[%arg0, %dma_wait3A, %dma_wait3A_17] : memref<2x10000x128xf32, #tpu.memory_space<hbm>> -> memref<1x10000x128xf32, #tpu.memory_space<hbm>>
      %dma_wait3A_19 = tpu.memref_squeeze %dma_wait3A_18 : memref<1x10000x128xf32, #tpu.memory_space<hbm>> -> memref<10000x128xf32, #tpu.memory_space<hbm>>
      %dma_wait3A_20 = arith.constant 0 : i32
      %dma_wait3A_21 = tpu.memref_slice %dma_wait3A_19[%multiple_of3A, %dma_wait3A_20] : memref<10000x128xf32, #tpu.memory_space<hbm>> -> memref<640x128xf32, #tpu.memory_space<hbm>>
      %dma_wait3A_22 = arith.constant 0 : i32
      %dma_wait3A_23 = tpu.memref_slice %arg10[%multiple_of3A, %dma_wait3A_22] : memref<10000x128xf32, #tpu.memory_space<vmem_shared>> -> memref<640x128xf32, #tpu.memory_space<vmem_shared>>
      tpu.wait_dma2 semaphore(%run_scoped3A : memref<!tpu.dma_semaphore, #tpu.memory_space<semaphore_mem>>) src(%dma_wait3A_23 : memref<640x128xf32, #tpu.memory_space<vmem_shared>>) dst(%dma_wait3A_21 : memref<640x128xf32, #tpu.memory_space<hbm>>)
      tpu.yield
    }) : () -> ()
    return
  }
}

#map = affine_map<(d0, d1) -> (0, 0)>
#map1 = affine_map<(d0, d1) -> (0, 0, 0)>
module attributes {stable_mosaic.version = 14 : i64} {
  func.func @_sc_aggregate(%arg0: i32, %arg1: i32, %arg2: memref<10000x128xf32, #tpu.memory_space<hbm>>, %arg3: memref<32x125x40xi32, #tpu.memory_space<hbm>>, %arg4: memref<32x125x40xi32, #tpu.memory_space<hbm>>, %arg5: memref<640x128xf32, #tpu.memory_space<hbm>>, %arg6: memref<2x10000x128xf32, #tpu.memory_space<hbm>>, %arg7: memref<125x40xi32, #tpu.memory_space<vmem>>, %arg8: memref<125x40xi32, #tpu.memory_space<vmem>>, %arg9: memref<40x128xf32, #tpu.memory_space<vmem>>, %arg10: memref<10000x128xf32, #tpu.memory_space<vmem_shared>>, %arg11: memref<!tpu.dma_semaphore, #tpu.memory_space<semaphore_mem>>) attributes {dimension_semantics = [#tpu.dimension_semantics<core_parallel>, #tpu.dimension_semantics<subcore_parallel>], iteration_bounds = array<i64: 2, 16>, scalar_prefetch = 0 : i64, scratch_operands = 5 : i64, tpu.core_type = #tpu.core_type<sc_vector_subcore>, window_params = [{transform_indices = #map}, {transform_indices = #map1}, {transform_indices = #map1}, {transform_indices = #map}, {transform_indices = #map1}]} {
    %mul3A = arith.constant 2 : i32
    %mul3A_0 = arith.muli %arg1, %mul3A : i32
    %add3A = arith.addi %mul3A_0, %arg0 : i32
    "tpu.region"() ({
      %run_scoped3A = tpu.sem_alloc : memref<!tpu.dma_semaphore, #tpu.memory_space<semaphore_mem>>
      %dma_start3A = arith.constant 0 : i32
      %dma_start3A_10 = arith.constant 0 : i32
      %dma_start3A_11 = tpu.memref_slice %arg3[%add3A, %dma_start3A, %dma_start3A_10] : memref<32x125x40xi32, #tpu.memory_space<hbm>> -> memref<1x125x40xi32, #tpu.memory_space<hbm>>
      %dma_start3A_12 = tpu.memref_squeeze %dma_start3A_11 : memref<1x125x40xi32, #tpu.memory_space<hbm>> -> memref<125x40xi32, #tpu.memory_space<hbm>>
      %dma_start3A_13 = arith.constant 0 : i32
      %dma_start3A_14 = arith.constant 0 : i32
      %dma_start3A_15 = tpu.memref_slice %arg3[%add3A, %dma_start3A_13, %dma_start3A_14] : memref<32x125x40xi32, #tpu.memory_space<hbm>> -> memref<1x125x40xi32, #tpu.memory_space<hbm>>
      %dma_start3A_16 = tpu.memref_squeeze %dma_start3A_15 : memref<1x125x40xi32, #tpu.memory_space<hbm>> -> memref<125x40xi32, #tpu.memory_space<hbm>>
      tpu.enqueue_dma source(%dma_start3A_16 : memref<125x40xi32, #tpu.memory_space<hbm>>) target(%arg7 : memref<125x40xi32, #tpu.memory_space<vmem>>) target_semaphore(%run_scoped3A : memref<!tpu.dma_semaphore, #tpu.memory_space<semaphore_mem>>)
      %dma_wait3A = arith.constant 0 : i32
      %dma_wait3A_17 = arith.constant 0 : i32
      %dma_wait3A_18 = tpu.memref_slice %arg3[%add3A, %dma_wait3A, %dma_wait3A_17] : memref<32x125x40xi32, #tpu.memory_space<hbm>> -> memref<1x125x40xi32, #tpu.memory_space<hbm>>
      %dma_wait3A_19 = tpu.memref_squeeze %dma_wait3A_18 : memref<1x125x40xi32, #tpu.memory_space<hbm>> -> memref<125x40xi32, #tpu.memory_space<hbm>>
      %dma_wait3A_20 = arith.constant 0 : i32
      %dma_wait3A_21 = arith.constant 0 : i32
      %dma_wait3A_22 = tpu.memref_slice %arg3[%add3A, %dma_wait3A_20, %dma_wait3A_21] : memref<32x125x40xi32, #tpu.memory_space<hbm>> -> memref<1x125x40xi32, #tpu.memory_space<hbm>>
      %dma_wait3A_23 = tpu.memref_squeeze %dma_wait3A_22 : memref<1x125x40xi32, #tpu.memory_space<hbm>> -> memref<125x40xi32, #tpu.memory_space<hbm>>
      tpu.wait_dma2 semaphore(%run_scoped3A : memref<!tpu.dma_semaphore, #tpu.memory_space<semaphore_mem>>) src(%dma_wait3A_23 : memref<125x40xi32, #tpu.memory_space<hbm>>) dst(%arg7 : memref<125x40xi32, #tpu.memory_space<vmem>>)
      tpu.yield
    }) : () -> ()
    "tpu.region"() ({
      %run_scoped3A = tpu.sem_alloc : memref<!tpu.dma_semaphore, #tpu.memory_space<semaphore_mem>>
      %dma_start3A = arith.constant 0 : i32
      %dma_start3A_10 = arith.constant 0 : i32
      %dma_start3A_11 = tpu.memref_slice %arg4[%add3A, %dma_start3A, %dma_start3A_10] : memref<32x125x40xi32, #tpu.memory_space<hbm>> -> memref<1x125x40xi32, #tpu.memory_space<hbm>>
      %dma_start3A_12 = tpu.memref_squeeze %dma_start3A_11 : memref<1x125x40xi32, #tpu.memory_space<hbm>> -> memref<125x40xi32, #tpu.memory_space<hbm>>
      %dma_start3A_13 = arith.constant 0 : i32
      %dma_start3A_14 = arith.constant 0 : i32
      %dma_start3A_15 = tpu.memref_slice %arg4[%add3A, %dma_start3A_13, %dma_start3A_14] : memref<32x125x40xi32, #tpu.memory_space<hbm>> -> memref<1x125x40xi32, #tpu.memory_space<hbm>>
      %dma_start3A_16 = tpu.memref_squeeze %dma_start3A_15 : memref<1x125x40xi32, #tpu.memory_space<hbm>> -> memref<125x40xi32, #tpu.memory_space<hbm>>
      tpu.enqueue_dma source(%dma_start3A_16 : memref<125x40xi32, #tpu.memory_space<hbm>>) target(%arg8 : memref<125x40xi32, #tpu.memory_space<vmem>>) target_semaphore(%run_scoped3A : memref<!tpu.dma_semaphore, #tpu.memory_space<semaphore_mem>>)
      %dma_wait3A = arith.constant 0 : i32
      %dma_wait3A_17 = arith.constant 0 : i32
      %dma_wait3A_18 = tpu.memref_slice %arg4[%add3A, %dma_wait3A, %dma_wait3A_17] : memref<32x125x40xi32, #tpu.memory_space<hbm>> -> memref<1x125x40xi32, #tpu.memory_space<hbm>>
      %dma_wait3A_19 = tpu.memref_squeeze %dma_wait3A_18 : memref<1x125x40xi32, #tpu.memory_space<hbm>> -> memref<125x40xi32, #tpu.memory_space<hbm>>
      %dma_wait3A_20 = arith.constant 0 : i32
      %dma_wait3A_21 = arith.constant 0 : i32
      %dma_wait3A_22 = tpu.memref_slice %arg4[%add3A, %dma_wait3A_20, %dma_wait3A_21] : memref<32x125x40xi32, #tpu.memory_space<hbm>> -> memref<1x125x40xi32, #tpu.memory_space<hbm>>
      %dma_wait3A_23 = tpu.memref_squeeze %dma_wait3A_22 : memref<1x125x40xi32, #tpu.memory_space<hbm>> -> memref<125x40xi32, #tpu.memory_space<hbm>>
      tpu.wait_dma2 semaphore(%run_scoped3A : memref<!tpu.dma_semaphore, #tpu.memory_space<semaphore_mem>>) src(%dma_wait3A_23 : memref<125x40xi32, #tpu.memory_space<hbm>>) dst(%arg8 : memref<125x40xi32, #tpu.memory_space<vmem>>)
      tpu.yield
    }) : () -> ()
    %mul3A_1 = arith.constant 640 : i32
    %mul3A_2 = arith.muli %arg1, %mul3A_1 : i32
    %min3A = arith.constant 9360 : i32
    %min3A_3 = arith.minsi %mul3A_2, %min3A : i32
    %multiple_of3A = tpu.assume_multiple %min3A_3, 8 : i32
    "tpu.region"() ({
      %run_scoped3A = tpu.sem_alloc : memref<!tpu.dma_semaphore, #tpu.memory_space<semaphore_mem>>
      %dma_start3A = arith.constant 0 : i32
      %dma_start3A_10 = tpu.memref_slice %arg10[%multiple_of3A, %dma_start3A] : memref<10000x128xf32, #tpu.memory_space<vmem_shared>> -> memref<640x128xf32, #tpu.memory_space<vmem_shared>>
      tpu.enqueue_dma source(%arg5 : memref<640x128xf32, #tpu.memory_space<hbm>>) target(%dma_start3A_10 : memref<640x128xf32, #tpu.memory_space<vmem_shared>>) target_semaphore(%run_scoped3A : memref<!tpu.dma_semaphore, #tpu.memory_space<semaphore_mem>>)
      %dma_wait3A = arith.constant 0 : i32
      %dma_wait3A_11 = tpu.memref_slice %arg10[%multiple_of3A, %dma_wait3A] : memref<10000x128xf32, #tpu.memory_space<vmem_shared>> -> memref<640x128xf32, #tpu.memory_space<vmem_shared>>
      tpu.wait_dma2 semaphore(%run_scoped3A : memref<!tpu.dma_semaphore, #tpu.memory_space<semaphore_mem>>) src(%arg5 : memref<640x128xf32, #tpu.memory_space<hbm>>) dst(%dma_wait3A_11 : memref<640x128xf32, #tpu.memory_space<vmem_shared>>)
      tpu.yield
    }) : () -> ()
    %barrier3A = arith.constant 0 : index
    tpu.barrier barrier_id(%barrier3A)
    %scan3A = arith.constant 0 : i32
    %scan3A_4 = arith.constant 0 : i32
    %scan3A_5 = arith.constant 125 : i32
    %scan3A_6 = arith.addi %scan3A_4, %scan3A_5 : i32
    %scan3A_7 = arith.constant 1 : i32
    scf.for %scan3A_10 = %scan3A_4 to %scan3A_6 step %scan3A_7  : i32 {
      %dma_start3A = arith.constant 0 : i32
      %dma_start3A_11 = tpu.memref_slice %arg7[%scan3A_10, %dma_start3A] : memref<125x40xi32, #tpu.memory_space<vmem>> -> memref<1x40xi32, #tpu.memory_space<vmem>>
      %dma_start3A_12 = tpu.memref_squeeze %dma_start3A_11 : memref<1x40xi32, #tpu.memory_space<vmem>> -> memref<40xi32, #tpu.memory_space<vmem>>
      %dma_start3A_13 = arith.constant 0 : i32
      %dma_start3A_14 = arith.constant 0 : i32
      %dma_start3A_15 = tpu.memref_slice %arg2[%dma_start3A_13, %dma_start3A_14] : memref<10000x128xf32, #tpu.memory_space<hbm>> -> memref<10000x128xf32, #tpu.memory_space<hbm>>
      tpu.enqueue_indirect_dma source(%dma_start3A_15 : memref<10000x128xf32, #tpu.memory_space<hbm>>) target(%arg9 : memref<40x128xf32, #tpu.memory_space<vmem>>) offsets(%dma_start3A_12 : memref<40xi32, #tpu.memory_space<vmem>>) semaphore(%arg11 : memref<!tpu.dma_semaphore, #tpu.memory_space<semaphore_mem>>)
      %dma_wait3A = arith.constant 0 : i32
      %dma_wait3A_16 = tpu.memref_slice %arg7[%scan3A_10, %dma_wait3A] : memref<125x40xi32, #tpu.memory_space<vmem>> -> memref<1x40xi32, #tpu.memory_space<vmem>>
      %dma_wait3A_17 = tpu.memref_squeeze %dma_wait3A_16 : memref<1x40xi32, #tpu.memory_space<vmem>> -> memref<40xi32, #tpu.memory_space<vmem>>
      %dma_wait3A_18 = arith.constant 0 : i32
      %dma_wait3A_19 = arith.constant 0 : i32
      %dma_wait3A_20 = tpu.memref_slice %arg2[%dma_wait3A_18, %dma_wait3A_19] : memref<10000x128xf32, #tpu.memory_space<hbm>> -> memref<10000x128xf32, #tpu.memory_space<hbm>>
      tpu.wait_indirect_dma semaphore(%arg11 : memref<!tpu.dma_semaphore, #tpu.memory_space<semaphore_mem>>) src(%dma_wait3A_20 : memref<10000x128xf32, #tpu.memory_space<hbm>>) dst(%arg9 : memref<40x128xf32, #tpu.memory_space<vmem>>)
      "tpu.region"() ({
        %run_scoped3A = tpu.sem_alloc : memref<!tpu.dma_semaphore, #tpu.memory_space<semaphore_mem>>
        %dma_start3A_21 = arith.constant 0 : i32
        %dma_start3A_22 = tpu.memref_slice %arg8[%scan3A_10, %dma_start3A_21] : memref<125x40xi32, #tpu.memory_space<vmem>> -> memref<1x40xi32, #tpu.memory_space<vmem>>
        %dma_start3A_23 = tpu.memref_squeeze %dma_start3A_22 : memref<1x40xi32, #tpu.memory_space<vmem>> -> memref<40xi32, #tpu.memory_space<vmem>>
        %dma_start3A_24 = arith.constant 0 : i32
        %dma_start3A_25 = arith.constant 0 : i32
        %dma_start3A_26 = tpu.memref_slice %arg10[%dma_start3A_24, %dma_start3A_25] : memref<10000x128xf32, #tpu.memory_space<vmem_shared>> -> memref<10000x128xf32, #tpu.memory_space<vmem_shared>>
        tpu.enqueue_indirect_dma source(%arg9 : memref<40x128xf32, #tpu.memory_space<vmem>>) target(%dma_start3A_26 : memref<10000x128xf32, #tpu.memory_space<vmem_shared>>) offsets(%dma_start3A_23 : memref<40xi32, #tpu.memory_space<vmem>>) semaphore(%run_scoped3A : memref<!tpu.dma_semaphore, #tpu.memory_space<semaphore_mem>>) {add = true}
        %dma_wait3A_27 = arith.constant 0 : i32
        %dma_wait3A_28 = tpu.memref_slice %arg8[%scan3A_10, %dma_wait3A_27] : memref<125x40xi32, #tpu.memory_space<vmem>> -> memref<1x40xi32, #tpu.memory_space<vmem>>
        %dma_wait3A_29 = tpu.memref_squeeze %dma_wait3A_28 : memref<1x40xi32, #tpu.memory_space<vmem>> -> memref<40xi32, #tpu.memory_space<vmem>>
        %dma_wait3A_30 = arith.constant 0 : i32
        %dma_wait3A_31 = arith.constant 0 : i32
        %dma_wait3A_32 = tpu.memref_slice %arg10[%dma_wait3A_30, %dma_wait3A_31] : memref<10000x128xf32, #tpu.memory_space<vmem_shared>> -> memref<10000x128xf32, #tpu.memory_space<vmem_shared>>
        tpu.wait_indirect_dma semaphore(%run_scoped3A : memref<!tpu.dma_semaphore, #tpu.memory_space<semaphore_mem>>) src(%arg9 : memref<40x128xf32, #tpu.memory_space<vmem>>) dst(%dma_wait3A_32 : memref<10000x128xf32, #tpu.memory_space<vmem_shared>>)
        tpu.yield
      }) : () -> ()
    }
    %scan3A_8 = arith.constant 125 : i32
    %barrier3A_9 = arith.constant 0 : index
    tpu.barrier barrier_id(%barrier3A_9)
    "tpu.region"() ({
      %run_scoped3A = tpu.sem_alloc : memref<!tpu.dma_semaphore, #tpu.memory_space<semaphore_mem>>
      %dma_start3A = arith.constant 0 : i32
      %dma_start3A_10 = arith.constant 0 : i32
      %dma_start3A_11 = tpu.memref_slice %arg6[%arg0, %dma_start3A, %dma_start3A_10] : memref<2x10000x128xf32, #tpu.memory_space<hbm>> -> memref<1x10000x128xf32, #tpu.memory_space<hbm>>
      %dma_start3A_12 = tpu.memref_squeeze %dma_start3A_11 : memref<1x10000x128xf32, #tpu.memory_space<hbm>> -> memref<10000x128xf32, #tpu.memory_space<hbm>>
      %dma_start3A_13 = arith.constant 0 : i32
      %dma_start3A_14 = tpu.memref_slice %dma_start3A_12[%multiple_of3A, %dma_start3A_13] : memref<10000x128xf32, #tpu.memory_space<hbm>> -> memref<640x128xf32, #tpu.memory_space<hbm>>
      %dma_start3A_15 = arith.constant 0 : i32
      %dma_start3A_16 = tpu.memref_slice %arg10[%multiple_of3A, %dma_start3A_15] : memref<10000x128xf32, #tpu.memory_space<vmem_shared>> -> memref<640x128xf32, #tpu.memory_space<vmem_shared>>
      tpu.enqueue_dma source(%dma_start3A_16 : memref<640x128xf32, #tpu.memory_space<vmem_shared>>) target(%dma_start3A_14 : memref<640x128xf32, #tpu.memory_space<hbm>>) target_semaphore(%run_scoped3A : memref<!tpu.dma_semaphore, #tpu.memory_space<semaphore_mem>>)
      %dma_wait3A = arith.constant 0 : i32
      %dma_wait3A_17 = arith.constant 0 : i32
      %dma_wait3A_18 = tpu.memref_slice %arg6[%arg0, %dma_wait3A, %dma_wait3A_17] : memref<2x10000x128xf32, #tpu.memory_space<hbm>> -> memref<1x10000x128xf32, #tpu.memory_space<hbm>>
      %dma_wait3A_19 = tpu.memref_squeeze %dma_wait3A_18 : memref<1x10000x128xf32, #tpu.memory_space<hbm>> -> memref<10000x128xf32, #tpu.memory_space<hbm>>
      %dma_wait3A_20 = arith.constant 0 : i32
      %dma_wait3A_21 = tpu.memref_slice %dma_wait3A_19[%multiple_of3A, %dma_wait3A_20] : memref<10000x128xf32, #tpu.memory_space<hbm>> -> memref<640x128xf32, #tpu.memory_space<hbm>>
      %dma_wait3A_22 = arith.constant 0 : i32
      %dma_wait3A_23 = tpu.memref_slice %arg10[%multiple_of3A, %dma_wait3A_22] : memref<10000x128xf32, #tpu.memory_space<vmem_shared>> -> memref<640x128xf32, #tpu.memory_space<vmem_shared>>
      tpu.wait_dma2 semaphore(%run_scoped3A : memref<!tpu.dma_semaphore, #tpu.memory_space<semaphore_mem>>) src(%dma_wait3A_23 : memref<640x128xf32, #tpu.memory_space<vmem_shared>>) dst(%dma_wait3A_21 : memref<640x128xf32, #tpu.memory_space<hbm>>)
      tpu.yield
    }) : () -> ()
    return
  }
}

module attributes {stable_mosaic.version = 14 : i64} {
  func.func @_tc_transform1_body(%arg0: memref<32x10000xf32, #tpu.memory_space<vmem>>, %arg1: memref<10000x128xf32, #tpu.memory_space<vmem>>, %arg2: memref<128x128xf32, #tpu.memory_space<vmem>>, %arg3: memref<10000x128xf32, #tpu.memory_space<vmem>>, %arg4: memref<10000x1xf32, #tpu.memory_space<vmem>>) attributes {dimension_semantics = [], scalar_prefetch = 0 : i64, scratch_operands = 0 : i64, tpu.core_type = #tpu.core_type<tc>} {
    %get3A = arith.constant 0 : index
    %get3A_0 = arith.constant 0 : index
    %get3A_1 = vector.load %arg0[%get3A, %get3A_0] : memref<32x10000xf32, #tpu.memory_space<vmem>>, vector<32x10000xf32>
    %reduce_sum3A = arith.constant dense<0.000000e+00> : vector<10000xf32>
    %reduce_sum3A_2 = vector.multi_reduction <add>, %get3A_1, %reduce_sum3A [0] : vector<32x10000xf32> to vector<10000xf32>
    %add3A = arith.constant 1.000000e+00 : f32
    %add3A_3 = vector.broadcast %add3A : f32 to vector<10000xf32>
    %add3A_4 = arith.addf %reduce_sum3A_2, %add3A_3 : vector<10000xf32>
    %rsqrt3A = math.rsqrt %add3A_4 : vector<10000xf32>
    %get3A_5 = arith.constant 0 : index
    %get3A_6 = arith.constant 0 : index
    %get3A_7 = vector.load %arg1[%get3A_5, %get3A_6] : memref<10000x128xf32, #tpu.memory_space<vmem>>, vector<10000x128xf32>
    %get3A_8 = arith.constant 0 : index
    %get3A_9 = arith.constant 0 : index
    %get3A_10 = vector.load %arg2[%get3A_8, %get3A_9] : memref<128x128xf32, #tpu.memory_space<vmem>>, vector<128x128xf32>
    %dot_general3A = arith.constant dense<0.000000e+00> : vector<10000x128xf32>
    %dot_general3A_11 = tpu.matmul %get3A_7, %get3A_10, %dot_general3A {dimension_numbers = #tpu.dot_dimension_numbers<[1], [0], [0], [1], [0, 0, 1, 1], [], []>, transpose_lhs_hint = false} : vector<10000x128xf32>, vector<128x128xf32>, vector<10000x128xf32> -> vector<10000x128xf32>
    %broadcast_in_dim3A = vector.shape_cast %rsqrt3A : vector<10000xf32> to vector<10000x1xf32>
    %mul3A = vector.broadcast %broadcast_in_dim3A : vector<10000x1xf32> to vector<10000x128xf32>
    %mul3A_12 = arith.mulf %dot_general3A_11, %mul3A : vector<10000x128xf32>
    %swap3A = arith.constant 0 : index
    %swap3A_13 = arith.constant 0 : index
    %swap3A_14 = vector.load %arg3[%swap3A, %swap3A_13] : memref<10000x128xf32, #tpu.memory_space<vmem>>, vector<10000x128xf32>
    tpu.vector_store %arg3[%swap3A, %swap3A_13], %mul3A_12 {strides = array<i32>} : memref<10000x128xf32, #tpu.memory_space<vmem>>, vector<10000x128xf32>,
    %broadcast_in_dim3A_15 = vector.shape_cast %rsqrt3A : vector<10000xf32> to vector<10000x1xf32>
    %swap3A_16 = arith.constant 0 : index
    %swap3A_17 = arith.constant 0 : index
    %swap3A_18 = vector.load %arg4[%swap3A_16, %swap3A_17] : memref<10000x1xf32, #tpu.memory_space<vmem>>, vector<10000x1xf32>
    tpu.vector_store %arg4[%swap3A_16, %swap3A_17], %broadcast_in_dim3A_15 {strides = array<i32>} : memref<10000x1xf32, #tpu.memory_space<vmem>>, vector<10000x1xf32>,
    return
  }
}

module attributes {stable_mosaic.version = 14 : i64} {
  func.func @_tc_combine1_body(%arg0: memref<2x10000x128xf32, #tpu.memory_space<vmem>>, %arg1: memref<10000x128xf32, #tpu.memory_space<vmem>>, %arg2: memref<10000x1xf32, #tpu.memory_space<vmem>>, %arg3: memref<128x128xf32, #tpu.memory_space<vmem>>, %arg4: memref<1x128xf32, #tpu.memory_space<vmem>>, %arg5: memref<10000x128xf32, #tpu.memory_space<vmem>>) attributes {dimension_semantics = [], scalar_prefetch = 0 : i64, scratch_operands = 0 : i64, tpu.core_type = #tpu.core_type<tc>} {
    %get3A = arith.constant 0 : index
    %get3A_0 = arith.constant 0 : index
    %get3A_1 = vector.load %arg2[%get3A, %get3A_0] : memref<10000x1xf32, #tpu.memory_space<vmem>>, vector<10000x1xf32>
    %get3A_2 = arith.constant 0 : index
    %get3A_3 = arith.constant 0 : index
    %get3A_4 = arith.constant 0 : index
    %get3A_5 = vector.load %arg0[%get3A_2, %get3A_3, %get3A_4] : memref<2x10000x128xf32, #tpu.memory_space<vmem>>, vector<1x10000x128xf32>
    %get3A_6 = vector.shape_cast %get3A_5 : vector<1x10000x128xf32> to vector<10000x128xf32>
    %get3A_7 = arith.constant 1 : index
    %get3A_8 = arith.constant 0 : index
    %get3A_9 = arith.constant 0 : index
    %get3A_10 = vector.load %arg0[%get3A_7, %get3A_8, %get3A_9] : memref<2x10000x128xf32, #tpu.memory_space<vmem>>, vector<1x10000x128xf32>
    %get3A_11 = vector.shape_cast %get3A_10 : vector<1x10000x128xf32> to vector<10000x128xf32>
    %add3A = arith.addf %get3A_6, %get3A_11 : vector<10000x128xf32>
    %get3A_12 = arith.constant 0 : index
    %get3A_13 = arith.constant 0 : index
    %get3A_14 = vector.load %arg1[%get3A_12, %get3A_13] : memref<10000x128xf32, #tpu.memory_space<vmem>>, vector<10000x128xf32>
    %add3A_15 = arith.addf %add3A, %get3A_14 : vector<10000x128xf32>
    %mul3A = vector.broadcast %get3A_1 : vector<10000x1xf32> to vector<10000x128xf32>
    %mul3A_16 = arith.mulf %mul3A, %add3A_15 : vector<10000x128xf32>
    %get3A_17 = arith.constant 0 : index
    %get3A_18 = arith.constant 0 : index
    %get3A_19 = vector.load %arg4[%get3A_17, %get3A_18] : memref<1x128xf32, #tpu.memory_space<vmem>>, vector<1x128xf32>
    %add3A_20 = vector.broadcast %get3A_19 : vector<1x128xf32> to vector<10000x128xf32>
    %add3A_21 = arith.addf %mul3A_16, %add3A_20 : vector<10000x128xf32>
    %max3A = arith.constant 0.000000e+00 : f32
    %max3A_22 = vector.broadcast %max3A : f32 to vector<10000x128xf32>
    %max3A_23 = arith.maximumf %add3A_21, %max3A_22 : vector<10000x128xf32>
    %get3A_24 = arith.constant 0 : index
    %get3A_25 = arith.constant 0 : index
    %get3A_26 = vector.load %arg3[%get3A_24, %get3A_25] : memref<128x128xf32, #tpu.memory_space<vmem>>, vector<128x128xf32>
    %dot_general3A = arith.constant dense<0.000000e+00> : vector<10000x128xf32>
    %dot_general3A_27 = tpu.matmul %max3A_23, %get3A_26, %dot_general3A {dimension_numbers = #tpu.dot_dimension_numbers<[1], [0], [0], [1], [0, 0, 1, 1], [], []>, transpose_lhs_hint = false} : vector<10000x128xf32>, vector<128x128xf32>, vector<10000x128xf32> -> vector<10000x128xf32>
    %mul3A_28 = vector.broadcast %get3A_1 : vector<10000x1xf32> to vector<10000x128xf32>
    %mul3A_29 = arith.mulf %dot_general3A_27, %mul3A_28 : vector<10000x128xf32>
    %swap3A = arith.constant 0 : index
    %swap3A_30 = arith.constant 0 : index
    %swap3A_31 = vector.load %arg5[%swap3A, %swap3A_30] : memref<10000x128xf32, #tpu.memory_space<vmem>>, vector<10000x128xf32>
    tpu.vector_store %arg5[%swap3A, %swap3A_30], %mul3A_29 {strides = array<i32>} : memref<10000x128xf32, #tpu.memory_space<vmem>>, vector<10000x128xf32>,
    return
  }
}

module attributes {stable_mosaic.version = 14 : i64} {
  func.func @_tc_combine2_body(%arg0: memref<2x10000x128xf32, #tpu.memory_space<vmem>>, %arg1: memref<10000x128xf32, #tpu.memory_space<vmem>>, %arg2: memref<10000x1xf32, #tpu.memory_space<vmem>>, %arg3: memref<1x128xf32, #tpu.memory_space<vmem>>, %arg4: memref<128x128xf32, #tpu.memory_space<vmem>>, %arg5: memref<128x128xf32, #tpu.memory_space<vmem>>, %arg6: memref<10000x128xf32, #tpu.memory_space<vmem>>, %arg7: memref<10000x128xf32, #tpu.memory_space<vmem>>) attributes {dimension_semantics = [], scalar_prefetch = 0 : i64, scratch_operands = 0 : i64, tpu.core_type = #tpu.core_type<tc>} {
    %get3A = arith.constant 0 : index
    %get3A_0 = arith.constant 0 : index
    %get3A_1 = vector.load %arg2[%get3A, %get3A_0] : memref<10000x1xf32, #tpu.memory_space<vmem>>, vector<10000x1xf32>
    %get3A_2 = arith.constant 0 : index
    %get3A_3 = arith.constant 0 : index
    %get3A_4 = arith.constant 0 : index
    %get3A_5 = vector.load %arg0[%get3A_2, %get3A_3, %get3A_4] : memref<2x10000x128xf32, #tpu.memory_space<vmem>>, vector<1x10000x128xf32>
    %get3A_6 = vector.shape_cast %get3A_5 : vector<1x10000x128xf32> to vector<10000x128xf32>
    %get3A_7 = arith.constant 1 : index
    %get3A_8 = arith.constant 0 : index
    %get3A_9 = arith.constant 0 : index
    %get3A_10 = vector.load %arg0[%get3A_7, %get3A_8, %get3A_9] : memref<2x10000x128xf32, #tpu.memory_space<vmem>>, vector<1x10000x128xf32>
    %get3A_11 = vector.shape_cast %get3A_10 : vector<1x10000x128xf32> to vector<10000x128xf32>
    %add3A = arith.addf %get3A_6, %get3A_11 : vector<10000x128xf32>
    %get3A_12 = arith.constant 0 : index
    %get3A_13 = arith.constant 0 : index
    %get3A_14 = vector.load %arg1[%get3A_12, %get3A_13] : memref<10000x128xf32, #tpu.memory_space<vmem>>, vector<10000x128xf32>
    %add3A_15 = arith.addf %add3A, %get3A_14 : vector<10000x128xf32>
    %mul3A = vector.broadcast %get3A_1 : vector<10000x1xf32> to vector<10000x128xf32>
    %mul3A_16 = arith.mulf %mul3A, %add3A_15 : vector<10000x128xf32>
    %get3A_17 = arith.constant 0 : index
    %get3A_18 = arith.constant 0 : index
    %get3A_19 = vector.load %arg3[%get3A_17, %get3A_18] : memref<1x128xf32, #tpu.memory_space<vmem>>, vector<1x128xf32>
    %add3A_20 = vector.broadcast %get3A_19 : vector<1x128xf32> to vector<10000x128xf32>
    %add3A_21 = arith.addf %mul3A_16, %add3A_20 : vector<10000x128xf32>
    %get3A_22 = arith.constant 0 : index
    %get3A_23 = arith.constant 0 : index
    %get3A_24 = vector.load %arg4[%get3A_22, %get3A_23] : memref<128x128xf32, #tpu.memory_space<vmem>>, vector<128x128xf32>
    %dot_general3A = arith.constant dense<0.000000e+00> : vector<10000x128xf32>
    %dot_general3A_25 = tpu.matmul %add3A_21, %get3A_24, %dot_general3A {dimension_numbers = #tpu.dot_dimension_numbers<[1], [0], [0], [1], [0, 0, 1, 1], [], []>, transpose_lhs_hint = false} : vector<10000x128xf32>, vector<128x128xf32>, vector<10000x128xf32> -> vector<10000x128xf32>
    %swap3A = arith.constant 0 : index
    %swap3A_26 = arith.constant 0 : index
    %swap3A_27 = vector.load %arg6[%swap3A, %swap3A_26] : memref<10000x128xf32, #tpu.memory_space<vmem>>, vector<10000x128xf32>
    tpu.vector_store %arg6[%swap3A, %swap3A_26], %dot_general3A_25 {strides = array<i32>} : memref<10000x128xf32, #tpu.memory_space<vmem>>, vector<10000x128xf32>,
    %get3A_28 = arith.constant 0 : index
    %get3A_29 = arith.constant 0 : index
    %get3A_30 = vector.load %arg5[%get3A_28, %get3A_29] : memref<128x128xf32, #tpu.memory_space<vmem>>, vector<128x128xf32>
    %dot_general3A_31 = arith.constant dense<0.000000e+00> : vector<10000x128xf32>
    %dot_general3A_32 = tpu.matmul %add3A_21, %get3A_30, %dot_general3A_31 {dimension_numbers = #tpu.dot_dimension_numbers<[1], [0], [0], [1], [0, 0, 1, 1], [], []>, transpose_lhs_hint = false} : vector<10000x128xf32>, vector<128x128xf32>, vector<10000x128xf32> -> vector<10000x128xf32>
    %swap3A_33 = arith.constant 0 : index
    %swap3A_34 = arith.constant 0 : index
    %swap3A_35 = vector.load %arg7[%swap3A_33, %swap3A_34] : memref<10000x128xf32, #tpu.memory_space<vmem>>, vector<10000x128xf32>
    tpu.vector_store %arg7[%swap3A_33, %swap3A_34], %dot_general3A_32 {strides = array<i32>} : memref<10000x128xf32, #tpu.memory_space<vmem>>, vector<10000x128xf32>,
    return
  }
}

module attributes {stable_mosaic.version = 14 : i64} {
  func.func @_tc_edge_body(%arg0: i32, %arg1: memref<1000x128xf32, #tpu.memory_space<vmem>>, %arg2: memref<1000x128xf32, #tpu.memory_space<vmem>>, %arg3: memref<1000x5xf32, #tpu.memory_space<vmem>>, %arg4: memref<1000x64xf32, #tpu.memory_space<vmem>>, %arg5: memref<1x128xf32, #tpu.memory_space<vmem>>, %arg6: memref<128x128xf32, #tpu.memory_space<vmem>>, %arg7: memref<1x128xf32, #tpu.memory_space<vmem>>, %arg8: memref<128x5xf32, #tpu.memory_space<vmem>>, %arg9: memref<1x5xf32, #tpu.memory_space<vmem>>, %arg10: memref<5x64xf32, #tpu.memory_space<vmem>>, %arg11: memref<5x64xf32, #tpu.memory_space<vmem>>, %arg12: memref<64x128xf32, #tpu.memory_space<vmem>>, %arg13: memref<1x128xf32, #tpu.memory_space<vmem>>, %arg14: memref<128x1xf32, #tpu.memory_space<vmem>>, %arg15: memref<1x1xf32, #tpu.memory_space<vmem>>, %arg16: memref<64x128xf32, #tpu.memory_space<vmem>>, %arg17: memref<1x128xf32, #tpu.memory_space<vmem>>, %arg18: memref<128x256xf32, #tpu.memory_space<vmem>>, %arg19: memref<1x256xf32, #tpu.memory_space<vmem>>, %arg20: memref<1000x1xf32, #tpu.memory_space<vmem>>, %arg21: memref<1000x256xf32, #tpu.memory_space<vmem>>, %arg22: memref<1000x64xf32, #tpu.memory_space<vmem>>, %arg23: memref<1000x64xf32, #tpu.memory_space<vmem>>, %arg24: memref<1000x64xf32, #tpu.memory_space<vmem>>, %arg25: memref<1000x5xf32, #tpu.memory_space<vmem>>, %arg26: memref<1000x5xf32, #tpu.memory_space<vmem>>) attributes {dimension_semantics = [#tpu.dimension_semantics<arbitrary>], iteration_bounds = array<i64: 160>, scalar_prefetch = 0 : i64, scratch_operands = 0 : i64, tpu.core_type = #tpu.core_type<tc>, window_params = [{transform_indices = @transform_0, window_bounds = array<i64: 1000, 128>}, {transform_indices = @transform_1, window_bounds = array<i64: 1000, 128>}, {transform_indices = @transform_2, window_bounds = array<i64: 1000, 5>}, {transform_indices = @transform_3, window_bounds = array<i64: 1000, 64>}, {pipeline_mode = #tpu.pipeline_mode<synchronous>, transform_indices = @transform_4, window_bounds = array<i64: 1, 128>}, {pipeline_mode = #tpu.pipeline_mode<synchronous>, transform_indices = @transform_5, window_bounds = array<i64: 128, 128>}, {pipeline_mode = #tpu.pipeline_mode<synchronous>, transform_indices = @transform_6, window_bounds = array<i64: 1, 128>}, {pipeline_mode = #tpu.pipeline_mode<synchronous>, transform_indices = @transform_7, window_bounds = array<i64: 128, 5>}, {pipeline_mode = #tpu.pipeline_mode<synchronous>, transform_indices = @transform_8, window_bounds = array<i64: 1, 5>}, {pipeline_mode = #tpu.pipeline_mode<synchronous>, transform_indices = @transform_9, window_bounds = array<i64: 5, 64>}, {pipeline_mode = #tpu.pipeline_mode<synchronous>, transform_indices = @transform_10, window_bounds = array<i64: 5, 64>}, {pipeline_mode = #tpu.pipeline_mode<synchronous>, transform_indices = @transform_11, window_bounds = array<i64: 64, 128>}, {pipeline_mode = #tpu.pipeline_mode<synchronous>, transform_indices = @transform_12, window_bounds = array<i64: 1, 128>}, {pipeline_mode = #tpu.pipeline_mode<synchronous>, transform_indices = @transform_13, window_bounds = array<i64: 128, 1>}, {pipeline_mode = #tpu.pipeline_mode<synchronous>, transform_indices = @transform_14, window_bounds = array<i64: 1, 1>}, {pipeline_mode = #tpu.pipeline_mode<synchronous>, transform_indices = @transform_15, window_bounds = array<i64: 64, 128>}, {pipeline_mode = #tpu.pipeline_mode<synchronous>, transform_indices = @transform_16, window_bounds = array<i64: 1, 128>}, {pipeline_mode = #tpu.pipeline_mode<synchronous>, transform_indices = @transform_17, window_bounds = array<i64: 128, 256>}, {pipeline_mode = #tpu.pipeline_mode<synchronous>, transform_indices = @transform_18, window_bounds = array<i64: 1, 256>}, {transform_indices = @transform_19, window_bounds = array<i64: 1000, 1>}, {transform_indices = @transform_20, window_bounds = array<i64: 1000, 256>}, {transform_indices = @transform_21, window_bounds = array<i64: 1000, 64>}, {transform_indices = @transform_22, window_bounds = array<i64: 1000, 64>}, {transform_indices = @transform_23, window_bounds = array<i64: 1000, 64>}, {transform_indices = @transform_24, window_bounds = array<i64: 1000, 5>}, {transform_indices = @transform_25, window_bounds = array<i64: 1000, 5>}]} {
    %get3A = arith.constant 0 : index
    %get3A_0 = arith.constant 0 : index
    %get3A_1 = vector.load %arg1[%get3A, %get3A_0] : memref<1000x128xf32, #tpu.memory_space<vmem>>, vector<1000x128xf32>
    %get3A_2 = arith.constant 0 : index
    %get3A_3 = arith.constant 0 : index
    %get3A_4 = vector.load %arg2[%get3A_2, %get3A_3] : memref<1000x128xf32, #tpu.memory_space<vmem>>, vector<1000x128xf32>
    %add3A = arith.addf %get3A_1, %get3A_4 : vector<1000x128xf32>
    %get3A_5 = arith.constant 0 : index
    %get3A_6 = arith.constant 0 : index
    %get3A_7 = vector.load %arg5[%get3A_5, %get3A_6] : memref<1x128xf32, #tpu.memory_space<vmem>>, vector<1x128xf32>
    %add3A_8 = vector.broadcast %get3A_7 : vector<1x128xf32> to vector<1000x128xf32>
    %add3A_9 = arith.addf %add3A, %add3A_8 : vector<1000x128xf32>
    %max3A = arith.constant 0.000000e+00 : f32
    %max3A_10 = vector.broadcast %max3A : f32 to vector<1000x128xf32>
    %max3A_11 = arith.maximumf %add3A_9, %max3A_10 : vector<1000x128xf32>
    %get3A_12 = arith.constant 0 : index
    %get3A_13 = arith.constant 0 : index
    %get3A_14 = vector.load %arg6[%get3A_12, %get3A_13] : memref<128x128xf32, #tpu.memory_space<vmem>>, vector<128x128xf32>
    %dot_general3A = arith.constant dense<0.000000e+00> : vector<1000x128xf32>
    %dot_general3A_15 = tpu.matmul %max3A_11, %get3A_14, %dot_general3A {dimension_numbers = #tpu.dot_dimension_numbers<[1], [0], [0], [1], [0, 0, 1, 1], [], []>, transpose_lhs_hint = false} : vector<1000x128xf32>, vector<128x128xf32>, vector<1000x128xf32> -> vector<1000x128xf32>
    %get3A_16 = arith.constant 0 : index
    %get3A_17 = arith.constant 0 : index
    %get3A_18 = vector.load %arg7[%get3A_16, %get3A_17] : memref<1x128xf32, #tpu.memory_space<vmem>>, vector<1x128xf32>
    %add3A_19 = vector.broadcast %get3A_18 : vector<1x128xf32> to vector<1000x128xf32>
    %add3A_20 = arith.addf %dot_general3A_15, %add3A_19 : vector<1000x128xf32>
    %max3A_21 = arith.constant 0.000000e+00 : f32
    %max3A_22 = vector.broadcast %max3A_21 : f32 to vector<1000x128xf32>
    %max3A_23 = arith.maximumf %add3A_20, %max3A_22 : vector<1000x128xf32>
    %get3A_24 = arith.constant 0 : index
    %get3A_25 = arith.constant 0 : index
    %get3A_26 = vector.load %arg8[%get3A_24, %get3A_25] : memref<128x5xf32, #tpu.memory_space<vmem>>, vector<128x5xf32>
    %dot_general3A_27 = arith.constant dense<0.000000e+00> : vector<1000x5xf32>
    %dot_general3A_28 = tpu.matmul %max3A_23, %get3A_26, %dot_general3A_27 {dimension_numbers = #tpu.dot_dimension_numbers<[1], [0], [0], [1], [0, 0, 1, 1], [], []>, transpose_lhs_hint = false} : vector<1000x128xf32>, vector<128x5xf32>, vector<1000x5xf32> -> vector<1000x5xf32>
    %get3A_29 = arith.constant 0 : index
    %get3A_30 = arith.constant 0 : index
    %get3A_31 = vector.load %arg9[%get3A_29, %get3A_30] : memref<1x5xf32, #tpu.memory_space<vmem>>, vector<1x5xf32>
    %add3A_32 = vector.broadcast %get3A_31 : vector<1x5xf32> to vector<1000x5xf32>
    %add3A_33 = arith.addf %dot_general3A_28, %add3A_32 : vector<1000x5xf32>
    %get3A_34 = arith.constant 0 : index
    %get3A_35 = arith.constant 0 : index
    %get3A_36 = vector.load %arg3[%get3A_34, %get3A_35] : memref<1000x5xf32, #tpu.memory_space<vmem>>, vector<1000x5xf32>
    %add3A_37 = arith.addf %add3A_33, %get3A_36 : vector<1000x5xf32>
    %div3A = arith.constant 5.000000e-01 : f32
    %div3A_38 = vector.broadcast %div3A : f32 to vector<1000x5xf32>
    %div3A_39 = arith.divf %add3A_37, %div3A_38 : vector<1000x5xf32>
    %reduce_max3A = arith.constant dense<0xFF800000> : vector<1000xf32>
    %reduce_max3A_40 = vector.multi_reduction <maximumf>, %div3A_39, %reduce_max3A [1] : vector<1000x5xf32> to vector<1000xf32>
    %broadcast_in_dim3A = vector.shape_cast %reduce_max3A_40 : vector<1000xf32> to vector<1000x1xf32>
    %sub3A = vector.broadcast %broadcast_in_dim3A : vector<1000x1xf32> to vector<1000x5xf32>
    %sub3A_41 = arith.subf %div3A_39, %sub3A : vector<1000x5xf32>
    %exp3A = math.exp %sub3A_41 : vector<1000x5xf32>
    %reduce_sum3A = arith.constant dense<0.000000e+00> : vector<1000xf32>
    %reduce_sum3A_42 = vector.multi_reduction <add>, %exp3A, %reduce_sum3A [1] : vector<1000x5xf32> to vector<1000xf32>
    %broadcast_in_dim3A_43 = vector.shape_cast %reduce_sum3A_42 : vector<1000xf32> to vector<1000x1xf32>
    %div3A_44 = vector.broadcast %broadcast_in_dim3A_43 : vector<1000x1xf32> to vector<1000x5xf32>
    %div3A_45 = arith.divf %exp3A, %div3A_44 : vector<1000x5xf32>
    %get3A_46 = arith.constant 0 : index
    %get3A_47 = arith.constant 0 : index
    %get3A_48 = vector.load %arg10[%get3A_46, %get3A_47] : memref<5x64xf32, #tpu.memory_space<vmem>>, vector<5x64xf32>
    %dot_general3A_49 = arith.constant dense<0.000000e+00> : vector<1000x64xf32>
    %dot_general3A_50 = tpu.matmul %div3A_45, %get3A_48, %dot_general3A_49 {dimension_numbers = #tpu.dot_dimension_numbers<[1], [0], [0], [1], [0, 0, 1, 1], [], []>, transpose_lhs_hint = false} : vector<1000x5xf32>, vector<5x64xf32>, vector<1000x64xf32> -> vector<1000x64xf32>
    %get3A_51 = arith.constant 0 : index
    %get3A_52 = arith.constant 0 : index
    %get3A_53 = vector.load %arg11[%get3A_51, %get3A_52] : memref<5x64xf32, #tpu.memory_space<vmem>>, vector<5x64xf32>
    %dot_general3A_54 = arith.constant dense<0.000000e+00> : vector<1000x64xf32>
    %dot_general3A_55 = tpu.matmul %div3A_45, %get3A_53, %dot_general3A_54 {dimension_numbers = #tpu.dot_dimension_numbers<[1], [0], [0], [1], [0, 0, 1, 1], [], []>, transpose_lhs_hint = false} : vector<1000x5xf32>, vector<5x64xf32>, vector<1000x64xf32> -> vector<1000x64xf32>
    %get3A_56 = arith.constant 0 : index
    %get3A_57 = arith.constant 0 : index
    %get3A_58 = vector.load %arg4[%get3A_56, %get3A_57] : memref<1000x64xf32, #tpu.memory_space<vmem>>, vector<1000x64xf32>
    %mul3A = arith.constant 5.000000e-01 : f32
    %mul3A_59 = vector.broadcast %mul3A : f32 to vector<1000x64xf32>
    %mul3A_60 = arith.mulf %mul3A_59, %dot_general3A_55 : vector<1000x64xf32>
    %exp3A_61 = math.exp %mul3A_60 : vector<1000x64xf32>
    %mul3A_62 = arith.mulf %get3A_58, %exp3A_61 : vector<1000x64xf32>
    %add3A_63 = arith.addf %dot_general3A_50, %mul3A_62 : vector<1000x64xf32>
    %get3A_64 = arith.constant 0 : index
    %get3A_65 = arith.constant 0 : index
    %get3A_66 = vector.load %arg12[%get3A_64, %get3A_65] : memref<64x128xf32, #tpu.memory_space<vmem>>, vector<64x128xf32>
    %dot_general3A_67 = arith.constant dense<0.000000e+00> : vector<1000x128xf32>
    %dot_general3A_68 = tpu.matmul %add3A_63, %get3A_66, %dot_general3A_67 {dimension_numbers = #tpu.dot_dimension_numbers<[1], [0], [0], [1], [0, 0, 1, 1], [], []>, transpose_lhs_hint = false} : vector<1000x64xf32>, vector<64x128xf32>, vector<1000x128xf32> -> vector<1000x128xf32>
    %get3A_69 = arith.constant 0 : index
    %get3A_70 = arith.constant 0 : index
    %get3A_71 = vector.load %arg13[%get3A_69, %get3A_70] : memref<1x128xf32, #tpu.memory_space<vmem>>, vector<1x128xf32>
    %add3A_72 = vector.broadcast %get3A_71 : vector<1x128xf32> to vector<1000x128xf32>
    %add3A_73 = arith.addf %dot_general3A_68, %add3A_72 : vector<1000x128xf32>
    %max3A_74 = arith.constant 0.000000e+00 : f32
    %max3A_75 = vector.broadcast %max3A_74 : f32 to vector<1000x128xf32>
    %max3A_76 = arith.maximumf %add3A_73, %max3A_75 : vector<1000x128xf32>
    %get3A_77 = arith.constant 0 : index
    %get3A_78 = arith.constant 0 : index
    %get3A_79 = vector.load %arg14[%get3A_77, %get3A_78] : memref<128x1xf32, #tpu.memory_space<vmem>>, vector<128x1xf32>
    %dot_general3A_80 = arith.constant dense<0.000000e+00> : vector<1000x1xf32>
    %dot_general3A_81 = tpu.matmul %max3A_76, %get3A_79, %dot_general3A_80 {dimension_numbers = #tpu.dot_dimension_numbers<[1], [0], [0], [1], [0, 0, 1, 1], [], []>, transpose_lhs_hint = false} : vector<1000x128xf32>, vector<128x1xf32>, vector<1000x1xf32> -> vector<1000x1xf32>
    %get3A_82 = arith.constant 0 : index
    %get3A_83 = arith.constant 0 : index
    %get3A_84 = vector.load %arg15[%get3A_82, %get3A_83] : memref<1x1xf32, #tpu.memory_space<vmem>>, vector<1x1xf32>
    %add3A_85 = vector.broadcast %get3A_84 : vector<1x1xf32> to vector<1000x1xf32>
    %add3A_86 = arith.addf %dot_general3A_81, %add3A_85 : vector<1000x1xf32>
    %logistic3A = arith.negf %add3A_86 : vector<1000x1xf32>
    %logistic3A_87 = math.exp %logistic3A : vector<1000x1xf32>
    %logistic3A_88 = arith.constant 1.000000e+00 : f32
    %logistic3A_89 = vector.broadcast %logistic3A_88 : f32 to vector<1000x1xf32>
    %logistic3A_90 = arith.addf %logistic3A_89, %logistic3A_87 : vector<1000x1xf32>
    %logistic3A_91 = arith.divf %logistic3A_89, %logistic3A_90 : vector<1000x1xf32>
    %get3A_92 = arith.constant 0 : index
    %get3A_93 = arith.constant 0 : index
    %get3A_94 = vector.load %arg16[%get3A_92, %get3A_93] : memref<64x128xf32, #tpu.memory_space<vmem>>, vector<64x128xf32>
    %dot_general3A_95 = arith.constant dense<0.000000e+00> : vector<1000x128xf32>
    %dot_general3A_96 = tpu.matmul %add3A_63, %get3A_94, %dot_general3A_95 {dimension_numbers = #tpu.dot_dimension_numbers<[1], [0], [0], [1], [0, 0, 1, 1], [], []>, transpose_lhs_hint = false} : vector<1000x64xf32>, vector<64x128xf32>, vector<1000x128xf32> -> vector<1000x128xf32>
    %get3A_97 = arith.constant 0 : index
    %get3A_98 = arith.constant 0 : index
    %get3A_99 = vector.load %arg17[%get3A_97, %get3A_98] : memref<1x128xf32, #tpu.memory_space<vmem>>, vector<1x128xf32>
    %add3A_100 = vector.broadcast %get3A_99 : vector<1x128xf32> to vector<1000x128xf32>
    %add3A_101 = arith.addf %dot_general3A_96, %add3A_100 : vector<1000x128xf32>
    %max3A_102 = arith.constant 0.000000e+00 : f32
    %max3A_103 = vector.broadcast %max3A_102 : f32 to vector<1000x128xf32>
    %max3A_104 = arith.maximumf %add3A_101, %max3A_103 : vector<1000x128xf32>
    %get3A_105 = arith.constant 0 : index
    %get3A_106 = arith.constant 0 : index
    %get3A_107 = vector.load %arg18[%get3A_105, %get3A_106] : memref<128x256xf32, #tpu.memory_space<vmem>>, vector<128x256xf32>
    %dot_general3A_108 = arith.constant dense<0.000000e+00> : vector<1000x256xf32>
    %dot_general3A_109 = tpu.matmul %max3A_104, %get3A_107, %dot_general3A_108 {dimension_numbers = #tpu.dot_dimension_numbers<[1], [0], [0], [1], [0, 0, 1, 1], [], []>, transpose_lhs_hint = false} : vector<1000x128xf32>, vector<128x256xf32>, vector<1000x256xf32> -> vector<1000x256xf32>
    %get3A_110 = arith.constant 0 : index
    %get3A_111 = arith.constant 0 : index
    %get3A_112 = vector.load %arg19[%get3A_110, %get3A_111] : memref<1x256xf32, #tpu.memory_space<vmem>>, vector<1x256xf32>
    %add3A_113 = vector.broadcast %get3A_112 : vector<1x256xf32> to vector<1000x256xf32>
    %add3A_114 = arith.addf %dot_general3A_109, %add3A_113 : vector<1000x256xf32>
    %swap3A = arith.constant 0 : index
    %swap3A_115 = arith.constant 0 : index
    %swap3A_116 = vector.load %arg20[%swap3A, %swap3A_115] : memref<1000x1xf32, #tpu.memory_space<vmem>>, vector<1000x1xf32>
    tpu.vector_store %arg20[%swap3A, %swap3A_115], %logistic3A_91 {strides = array<i32>} : memref<1000x1xf32, #tpu.memory_space<vmem>>, vector<1000x1xf32>,
    %swap3A_117 = arith.constant 0 : index
    %swap3A_118 = arith.constant 0 : index
    %swap3A_119 = vector.load %arg21[%swap3A_117, %swap3A_118] : memref<1000x256xf32, #tpu.memory_space<vmem>>, vector<1000x256xf32>
    tpu.vector_store %arg21[%swap3A_117, %swap3A_118], %add3A_114 {strides = array<i32>} : memref<1000x256xf32, #tpu.memory_space<vmem>>, vector<1000x256xf32>,
    %swap3A_120 = arith.constant 0 : index
    %swap3A_121 = arith.constant 0 : index
    %swap3A_122 = vector.load %arg22[%swap3A_120, %swap3A_121] : memref<1000x64xf32, #tpu.memory_space<vmem>>, vector<1000x64xf32>
    tpu.vector_store %arg22[%swap3A_120, %swap3A_121], %add3A_63 {strides = array<i32>} : memref<1000x64xf32, #tpu.memory_space<vmem>>, vector<1000x64xf32>,
    %swap3A_123 = arith.constant 0 : index
    %swap3A_124 = arith.constant 0 : index
    %swap3A_125 = vector.load %arg23[%swap3A_123, %swap3A_124] : memref<1000x64xf32, #tpu.memory_space<vmem>>, vector<1000x64xf32>
    tpu.vector_store %arg23[%swap3A_123, %swap3A_124], %dot_general3A_50 {strides = array<i32>} : memref<1000x64xf32, #tpu.memory_space<vmem>>, vector<1000x64xf32>,
    %swap3A_126 = arith.constant 0 : index
    %swap3A_127 = arith.constant 0 : index
    %swap3A_128 = vector.load %arg24[%swap3A_126, %swap3A_127] : memref<1000x64xf32, #tpu.memory_space<vmem>>, vector<1000x64xf32>
    tpu.vector_store %arg24[%swap3A_126, %swap3A_127], %dot_general3A_55 {strides = array<i32>} : memref<1000x64xf32, #tpu.memory_space<vmem>>, vector<1000x64xf32>,
    %swap3A_129 = arith.constant 0 : index
    %swap3A_130 = arith.constant 0 : index
    %swap3A_131 = vector.load %arg25[%swap3A_129, %swap3A_130] : memref<1000x5xf32, #tpu.memory_space<vmem>>, vector<1000x5xf32>
    tpu.vector_store %arg25[%swap3A_129, %swap3A_130], %div3A_45 {strides = array<i32>} : memref<1000x5xf32, #tpu.memory_space<vmem>>, vector<1000x5xf32>,
    %swap3A_132 = arith.constant 0 : index
    %swap3A_133 = arith.constant 0 : index
    %swap3A_134 = vector.load %arg26[%swap3A_132, %swap3A_133] : memref<1000x5xf32, #tpu.memory_space<vmem>>, vector<1000x5xf32>
    tpu.vector_store %arg26[%swap3A_132, %swap3A_133], %add3A_33 {strides = array<i32>} : memref<1000x5xf32, #tpu.memory_space<vmem>>, vector<1000x5xf32>,
    return
  }
  func.func @transform_0(%arg0: i32) -> (i32, i32) {
    %c0_i32 = arith.constant 0 : i32
    %c0_i32_0 = arith.constant 0 : i32
    return %arg0, %c0_i32 : i32, i32
  }
  func.func @transform_1(%arg0: i32) -> (i32, i32) {
    %c0_i32 = arith.constant 0 : i32
    %c0_i32_0 = arith.constant 0 : i32
    return %arg0, %c0_i32 : i32, i32
  }
  func.func @transform_2(%arg0: i32) -> (i32, i32) {
    %c0_i32 = arith.constant 0 : i32
    %c0_i32_0 = arith.constant 0 : i32
    return %arg0, %c0_i32 : i32, i32
  }
  func.func @transform_3(%arg0: i32) -> (i32, i32) {
    %c0_i32 = arith.constant 0 : i32
    %c0_i32_0 = arith.constant 0 : i32
    return %arg0, %c0_i32 : i32, i32
  }
  func.func @transform_4(%arg0: i32) -> (i32, i32) {
    %c0_i32 = arith.constant 0 : i32
    %c0_i32_0 = arith.constant 0 : i32
    %c0_i32_1 = arith.constant 0 : i32
    return %c0_i32, %c0_i32_0 : i32, i32
  }
  func.func @transform_5(%arg0: i32) -> (i32, i32) {
    %c0_i32 = arith.constant 0 : i32
    %c0_i32_0 = arith.constant 0 : i32
    %c0_i32_1 = arith.constant 0 : i32
    return %c0_i32, %c0_i32_0 : i32, i32
  }
  func.func @transform_6(%arg0: i32) -> (i32, i32) {
    %c0_i32 = arith.constant 0 : i32
    %c0_i32_0 = arith.constant 0 : i32
    %c0_i32_1 = arith.constant 0 : i32
    return %c0_i32, %c0_i32_0 : i32, i32
  }
  func.func @transform_7(%arg0: i32) -> (i32, i32) {
    %c0_i32 = arith.constant 0 : i32
    %c0_i32_0 = arith.constant 0 : i32
    %c0_i32_1 = arith.constant 0 : i32
    return %c0_i32, %c0_i32_0 : i32, i32
  }
  func.func @transform_8(%arg0: i32) -> (i32, i32) {
    %c0_i32 = arith.constant 0 : i32
    %c0_i32_0 = arith.constant 0 : i32
    %c0_i32_1 = arith.constant 0 : i32
    return %c0_i32, %c0_i32_0 : i32, i32
  }
  func.func @transform_9(%arg0: i32) -> (i32, i32) {
    %c0_i32 = arith.constant 0 : i32
    %c0_i32_0 = arith.constant 0 : i32
    %c0_i32_1 = arith.constant 0 : i32
    return %c0_i32, %c0_i32_0 : i32, i32
  }
  func.func @transform_10(%arg0: i32) -> (i32, i32) {
    %c0_i32 = arith.constant 0 : i32
    %c0_i32_0 = arith.constant 0 : i32
    %c0_i32_1 = arith.constant 0 : i32
    return %c0_i32, %c0_i32_0 : i32, i32
  }
  func.func @transform_11(%arg0: i32) -> (i32, i32) {
    %c0_i32 = arith.constant 0 : i32
    %c0_i32_0 = arith.constant 0 : i32
    %c0_i32_1 = arith.constant 0 : i32
    return %c0_i32, %c0_i32_0 : i32, i32
  }
  func.func @transform_12(%arg0: i32) -> (i32, i32) {
    %c0_i32 = arith.constant 0 : i32
    %c0_i32_0 = arith.constant 0 : i32
    %c0_i32_1 = arith.constant 0 : i32
    return %c0_i32, %c0_i32_0 : i32, i32
  }
  func.func @transform_13(%arg0: i32) -> (i32, i32) {
    %c0_i32 = arith.constant 0 : i32
    %c0_i32_0 = arith.constant 0 : i32
    %c0_i32_1 = arith.constant 0 : i32
    return %c0_i32, %c0_i32_0 : i32, i32
  }
  func.func @transform_14(%arg0: i32) -> (i32, i32) {
    %c0_i32 = arith.constant 0 : i32
    %c0_i32_0 = arith.constant 0 : i32
    %c0_i32_1 = arith.constant 0 : i32
    return %c0_i32, %c0_i32_0 : i32, i32
  }
  func.func @transform_15(%arg0: i32) -> (i32, i32) {
    %c0_i32 = arith.constant 0 : i32
    %c0_i32_0 = arith.constant 0 : i32
    %c0_i32_1 = arith.constant 0 : i32
    return %c0_i32, %c0_i32_0 : i32, i32
  }
  func.func @transform_16(%arg0: i32) -> (i32, i32) {
    %c0_i32 = arith.constant 0 : i32
    %c0_i32_0 = arith.constant 0 : i32
    %c0_i32_1 = arith.constant 0 : i32
    return %c0_i32, %c0_i32_0 : i32, i32
  }
  func.func @transform_17(%arg0: i32) -> (i32, i32) {
    %c0_i32 = arith.constant 0 : i32
    %c0_i32_0 = arith.constant 0 : i32
    %c0_i32_1 = arith.constant 0 : i32
    return %c0_i32, %c0_i32_0 : i32, i32
  }
  func.func @transform_18(%arg0: i32) -> (i32, i32) {
    %c0_i32 = arith.constant 0 : i32
    %c0_i32_0 = arith.constant 0 : i32
    %c0_i32_1 = arith.constant 0 : i32
    return %c0_i32, %c0_i32_0 : i32, i32
  }
  func.func @transform_19(%arg0: i32) -> (i32, i32) {
    %c0_i32 = arith.constant 0 : i32
    %c0_i32_0 = arith.constant 0 : i32
    return %arg0, %c0_i32 : i32, i32
  }
  func.func @transform_20(%arg0: i32) -> (i32, i32) {
    %c0_i32 = arith.constant 0 : i32
    %c0_i32_0 = arith.constant 0 : i32
    return %arg0, %c0_i32 : i32, i32
  }
  func.func @transform_21(%arg0: i32) -> (i32, i32) {
    %c0_i32 = arith.constant 0 : i32
    %c0_i32_0 = arith.constant 0 : i32
    return %arg0, %c0_i32 : i32, i32
  }
  func.func @transform_22(%arg0: i32) -> (i32, i32) {
    %c0_i32 = arith.constant 0 : i32
    %c0_i32_0 = arith.constant 0 : i32
    return %arg0, %c0_i32 : i32, i32
  }
  func.func @transform_23(%arg0: i32) -> (i32, i32) {
    %c0_i32 = arith.constant 0 : i32
    %c0_i32_0 = arith.constant 0 : i32
    return %arg0, %c0_i32 : i32, i32
  }
  func.func @transform_24(%arg0: i32) -> (i32, i32) {
    %c0_i32 = arith.constant 0 : i32
    %c0_i32_0 = arith.constant 0 : i32
    return %arg0, %c0_i32 : i32, i32
  }
  func.func @transform_25(%arg0: i32) -> (i32, i32) {
    %c0_i32 = arith.constant 0 : i32
    %c0_i32_0 = arith.constant 0 : i32
    return %arg0, %c0_i32 : i32, i32
  }
}

</mosaic_0001>

<sc_bundles>
// kernel: kernel.10.cloned.1.call-start
scs
__scs_entry_jumppad:
0x0: {  	(pc) =	sbr.rel $0x88, $3  }
0x1: {  	(tag) =	ssettag $0x0;
	lr =	simm.s32 $0x1  }
0x2: {  	[smem:$0x3F8B] =	sst lr;
	_ =	strace $0xD0000000  }
0x3: {  	_ = 	snop  }
0x4: {  	_ = 	snop  }
0x5: {  	_ = 	snop  }
0x6: {  	_ = 	snop  }
0x7: {  	_ = 	snop  }
__scs_overlays_trampoline_lowered:
0x8: {  	[smem:$0x3F9A] =	sst s0  }
0x9: {  	[smem:$0x3F9B] =	sst s1  }
0xa: {  	[smem:$0x3F9C] =	sst s2  }
0xb: {  	[smem:$0x3F9D] =	sst s3  }
0xc: {  	[smem:$0x3F9E] =	sst s4  }
0xd: {  	[smem:$0x3F9F] =	sst s5  }
0xe: {  	[smem:$0x3FA0] =	sst s6  }
0xf: {  	[smem:$0x3FA1] =	sst s7  }
0x10: {  	[smem:$0x3FA2] =	sst s8  }
0x11: {  	[smem:$0x3FA3] =	sst s9;
	s0 =	simm.s32 @!p0 $0x0  }
0x12: {  	s1 =	sld [smem:$0x3F89];
	s0 =	simm.s32 @p0 $0x1  }
0x13: {  	[smem:$0x3FA4] =	sst s0;
	s0 =	simm.s32 @!p1 $0x0  }
0x14: {  	s2 =	sld [smem:$0x3F88];
	s0 =	simm.s32 @p1 $0x1  }
0x15: {  	[smem:$0x3FA5] =	sst s0;
	s0 =	simm.s32 @!p2 $0x0  }
0x16: {  	s3 =	sld [smem:$0x3FDB];
	s0 =	simm.s32 @p2 $0x1  }
0x17: {  	s4 =	simm.s32 $0x1BF5;
	[smem:$0x3FA7] =	sst s0  }
0x18: {  	s0 =	sld [smem:$0x3F8A];
	_ =	swait.ge [sflag:s4], $0x0  }
0x19: {  	s7 =	sld [smem:$0x3F8B]  }
0x1a: {  	s8 =	sadd.s32 $0xFFFFE003, lr  }
0x1b: {  	s9 =	sadd.s32 $0xFFFFFEF7, lr;
	s5 =	simm.s32 $0xFFFFFFFF;
	p2 =	slt.u32 s8, $0xFFFFF086  }
0x1c: {  	p1 =	slt.u32 s9, $0xF7A;
	s5 =	simm.s32 @!p2 $0x0  }
0x1d: {  	s5 =	simm.s32 @p1 $0x1;
	p0 =	seq.s32 s7, s2  }
0x1e: {  	s7 =	smul.u32 @!p0 $0xF7A, s2;
	p2 =	seq.s32 @!p0 s5, $0x0  }
0x1f: {  	s9 =	smul.u32 $0xF7A, s1;
	s8 =	simm.s32 @!p0 $0x1BF5;
	p2 =	por !p2, p0  }
0x20: {  	[sflag:s8] =	ssyncset.s32 @!p0 $0xFFFFF086;
	s6 =	sadd.s32 @!p0 s3, s7;
	s7 =	simm.s32 @!p0 $0x108  }
0x21: {  	s3 =	sadd.s32 s3, s9;
	s6 =	sadd.s32 @!p0 $0x88, s6;
	s7 =	simm.s32 @p2 $0x1082  }
0x22: {  	[simem:s7], [sflag:s8] =	dma.local @!p0 [hbm:s6], $0xF7A  }
0x23: {  	s9 =	sor.u32 $0xD0000000, s2;
	s6 =	simm.s32 $0x108;
	_ =	swait.ge @!p0 [sflag:s8], $0x0  }
0x24: {  	s3 =	sadd.s32 $0x88, s3;
	s6 =	simm.s32 @!p1 $0x1082;
	[sflag:s4] =	ssyncset.s32 $0xFFFFF086  }
0x25: {  	[simem:s6], [sflag:s4] =	dma.local [hbm:s3], $0xF7A  }
0x26: {  	[smem:$0x3F8B] =	sst s1;
	(tag) =	ssettag s2;
	_ =	strace s9  }
0x27: {  	s1 =	sld [smem:$0x3F9B]  }
0x28: {  	s2 =	sld [smem:$0x3F9C]  }
0x29: {  	s4 =	sld [smem:$0x3F9E]  }
0x2a: {  	p0 =	seq.s32 s5, $0x0;
	s5 =	sld [smem:$0x3F9F]  }
0x2b: {  	s6 =	sld [smem:$0x3FA0]  }
0x2c: {  	s7 =	sld [smem:$0x3FA1]  }
0x2d: {  	s3 =	simm.s32 $0x108;
	s8 =	sld [smem:$0x3FA2]  }
0x2e: {  	s3 =	simm.s32 @!p0 $0x1082;
	s9 =	sld [smem:$0x3FA3]  }
0x2f: {  	lr =	sadd.s32 s0, s3;
	s0 =	sld [smem:$0x3F9A]  }
0x30: {  	s3 =	sld [smem:$0x3F9D]  }
0x31: {  	[smem:$0x3FA6] =	sst s10  }
0x32: {  	s10 =	sld [smem:$0x3FA4];
	_ =	sdelay $0x3  }
0x33: {  	p0 =	seq.s32 s10, $0x1;
	s10 =	sld [smem:$0x3FA6];
	_ =	sdelay $0x3  }
0x34: {  	[smem:$0x3FA6] =	sst s10  }
0x35: {  	s10 =	sld [smem:$0x3FA5];
	_ =	sdelay $0x3  }
0x36: {  	p1 =	seq.s32 s10, $0x1;
	s10 =	sld [smem:$0x3FA6];
	_ =	sdelay $0x3  }
0x37: {  	[smem:$0x3FA6] =	sst s10  }
0x38: {  	s10 =	sld [smem:$0x3FA7]  }
0x39: {  	_ = 	snop;
	(pc) =	sbr.ind lr, $3  }
0x3a: {  	_ = 	snop  }
0x3b: {  	_ = 	snop  }
0x3c: {  	p2 =	seq.s32 s10, $0x1;
	s10 =	sld [smem:$0x3FA6]  }
0x3d: {  	_ =	shalt  }
0x3e: {  	_ =	shalt  }
0x3f: {  	_ =	shalt  }
0x40: {  	_ =	shalt  }
0x41: {  	_ =	shalt  }
0x42: {  	_ =	shalt  }
0x43: {  	_ =	shalt  }
0x44: {  	_ =	shalt  }
0x45: {  	_ =	shalt  }
0x46: {  	_ =	shalt  }
0x47: {  	_ =	shalt  }
0x48: {  	_ =	shalt  }
0x49: {  	_ =	shalt  }
0x4a: {  	_ =	shalt  }
0x4b: {  	_ =	shalt  }
0x4c: {  	_ =	shalt  }
0x4d: {  	_ =	shalt  }
0x4e: {  	_ =	shalt  }
0x4f: {  	_ =	shalt  }
0x50: {  	_ =	shalt  }
0x51: {  	_ =	shalt  }
0x52: {  	_ =	shalt  }
0x53: {  	_ =	shalt  }
0x54: {  	_ =	shalt  }
0x55: {  	_ =	shalt  }
0x56: {  	_ =	shalt  }
0x57: {  	_ =	shalt  }
0x58: {  	_ =	shalt  }
0x59: {  	_ =	shalt  }
0x5a: {  	_ =	shalt  }
0x5b: {  	_ =	shalt  }
0x5c: {  	_ =	shalt  }
0x5d: {  	_ =	shalt  }
0x5e: {  	_ =	shalt  }
0x5f: {  	_ =	shalt  }
0x60: {  	_ =	shalt  }
0x61: {  	_ =	shalt  }
0x62: {  	_ =	shalt  }
0x63: {  	_ =	shalt  }
0x64: {  	_ =	shalt  }
0x65: {  	_ =	shalt  }
0x66: {  	_ =	shalt  }
0x67: {  	_ =	shalt  }
0x68: {  	_ =	shalt  }
0x69: {  	_ =	shalt  }
0x6a: {  	_ =	shalt  }
0x6b: {  	_ =	shalt  }
0x6c: {  	_ =	shalt  }
0x6d: {  	_ =	shalt  }
0x6e: {  	_ =	shalt  }
0x6f: {  	_ =	shalt  }
0x70: {  	_ =	shalt  }
0x71: {  	_ =	shalt  }
0x72: {  	_ =	shalt  }
0x73: {  	_ =	shalt  }
0x74: {  	_ =	shalt  }
0x75: {  	_ =	shalt  }
0x76: {  	_ =	shalt  }
0x77: {  	_ =	shalt  }
0x78: {  	_ =	shalt  }
0x79: {  	_ =	shalt  }
0x7a: {  	_ =	shalt  }
0x7b: {  	_ =	shalt  }
0x7c: {  	_ =	shalt  }
0x7d: {  	_ =	shalt  }
0x7e: {  	_ =	shalt  }
0x7f: {  	_ =	shalt  }
0x80: {  	_ =	shalt  }
0x81: {  	_ =	shalt  }
0x82: {  	_ =	shalt  }
0x83: {  	_ =	shalt  }
0x84: {  	_ =	shalt  }
0x85: {  	_ =	shalt  }
0x86: {  	_ =	shalt  }
0x87: {  	_ =	shalt  }
.Lfunc_end0:
.L_simem_size_0:
called_computation_lowered:
.L_overlay_start_0:
0x88: {  	s2 =	sld [smem:$0x3FD9]  }
0x89: {  	s3 =	sld [smem:$0x3FFE];
	_ =	sdelay $0x1  }
0x8a: {  	s1 =	srdreg.scid  }
0x8b: {  	s0 =	sand.u32 $0x1, s1  }
0x8c: {  	s15 =	sshll.u32 s0, $0xA;
	s2 =	sadd.s32 s3, s2  }
0x8d: {  	s2 =	sadd.s32 s2, s15  }
0x8e: {  	[smem:$0x3FB2] =	sst s2  }
0x8f: {  	_ = 	snop  }
0x90: {  	s2 =	sld [smem:$0x3FD0];
	_ =	sdelay $0x2  }
0x91: {  	s16 =	simm.s32 $0xA;
	s4 =	simm.s32 $0x10  }
0x92: {  	[smem:s4], [sflag:s16] =	dma.local [hbm:s2], $0x1  }
0x93: {  	_ =	swait.eq [sflag:s16], $0x1  }
0x94: {  	[sflag:s16] =	ssyncset.done $0x0  }
0x95: {  	s17 =	sld [smem:$0x10];
	[sflag:s16] =	ssyncadd.s32 $0xFFFFFFFF  }
0x96: {  	s18 =	sld [smem:$0x16];
	(tm) =	ssettm $0x1  }
0x97: {  	s19 =	sld [smem:$0x3FFB];
	_ =	sdelay $0x3  }
0x98: {  	_ =	strace s19  }
0x99: {  	s4 =	sld [smem:$0x3FFC];
	_ =	sdelay $0x3  }
0x9a: {  	_ =	strace s4  }
0x9b: {  	s4 =	sld [smem:$0x3FFD];
	_ =	sdelay $0x3  }
0x9c: {  	_ =	strace s4  }
0x9d: {  	_ =	strace $0x8FFFFFFF  }
0x9e: {  	s20 =	sld [smem:$0x3FDB];
	_ =	sdelay $0x1  }
0x9f: {  	s5 =	simm.s32 $_scs_section_size  }
0xa0: {  	s6 =	simm.s32 $_size__tile_overlayer_lowered;
	s7 =	simm.s32 $_tile_overlayer_lowered  }
0xa1: {  	s23 =	simm.s32 $0x1BFF;
	s22 =	sshll.u32 s7, $0x1;
	s4 =	sadd.s32 s5, s20  }
0xa2: {  	s8 =	simm.s32 $0x0;
	s21 =	sshll.u32 s6, $0x1;
	s6 =	sadd.s32 s22, s4  }
0xa3: {  	[timem:s8], [sflag:s23] =	dma.local [hbm:s6], s21  }
0xa4: {  	_ =	swait.ge [sflag:s23], s21  }
0xa5: {  	s5 =	ssub.s32 $0x0, s21;
	[sflag:s23] =	ssyncset.done $0x0  }
0xa6: {  	[sflag:s23] =	ssyncadd.s32 s5;
	_ =	sdelay $0x1  }
0xa7: {  	s24 =	simm.s32 $0x1B8B  }
0xa8: {  	_ =	swait.ge [sflag:s24], $0x1  }
0xa9: {  	[sflag:s24] =	ssyncset.done $0x0  }
0xaa: {  	s25 =	simm.s32 $0x1B8E;
	[sflag:s24] =	ssyncadd.s32 $0xFFFFFFFF  }
0xab: {  	s26 =	simm.s32 $execute0_lowered;
	[smem:$0x3FD2] =	sst s25  }
0xac: {  	s5 =	sshll.u32 s26, $0x1;
	_ =	strace $0x80000046;
	[dreg:$0x1] =	wrdreg $0xFFFFFFFF  }
0xad: {  	s28 =	simm.s32 $_size_execute0_lowered;
	s4 =	sadd.s32 s4, s5;
	[dreg:$0x0] =	wrdreg $0x0  }
0xae: {  	s5 =	sshll.u32 s28, $0x1;
	[dreg:$0x2] =	wrdreg s4  }
0xaf: {  	[dreg:$0x3] =	wrdreg s5  }
0xb0: {  	[dreg:$0x4] =	wrdreg $0xC0  }
0xb1: {  	_ =	task [dreg:s8], $0x5FFFF  }
0xb2: {  	[dreg:$0x1] =	wrdreg $0xFFFFFFFF  }
0xb3: {  	[dreg:$0x0] =	wrdreg $0x60  }
0xb4: {  	[dreg:$0x2] =	wrdreg s17  }
0xb5: {  	[dreg:$0x3] =	wrdreg s18  }
0xb6: {  	[dreg:$0x4] =	wrdreg $0x9  }
0xb7: {  	_ =	task.clear_ibuf [dreg:s8], $0x5FFFF;
	_ =	strace $0x90000046  }
0xb8: {  	s29 =	simm.s32 $0x9;
	_ =	strace $0x80000048  }
0xb9: {  	_ =	swait.ge [sflag:s29], $0x1  }
0xba: {  	[sflag:s29] =	ssyncadd.s32 $0xFFFFFFFF  }
0xbb: {  	_ =	strace $0x90000048  }
0xbc: {  	_ =	sfence  }
0xbd: {  	s30 =	sld [smem:$0x0];
	_ =	sdelay $0x2  }
0xbe: {  	s31 =	sshll.u32 s1, $0xD;
	s1 =	sshrl.u32 s1, $0x2  }
0xbf: {  	s3 =	sand.u32 $0x4000, s31;
	s1 =	sadd.s32 s1, s30  }
0xc0: {  	s0 =	sor.u32 s3, s0;
	s1 =	sshll.u32 s1, $0x11  }
0xc1: {  	s0 =	sor.u32 s1, s0  }
0xc2: {  	s0 =	sadd.s32 $0x8F2B, s0  }
0xc3: {  	[sflag:s0] =	ssyncadd.remote.s32 $0x1  }
0xc4: {  	_ =	sfence.sel $0xFFFF  }
0xc5: {  	[dreg:$0x0] =	wrdreg $0xFFFFFFFF;
	(pc) =	sbr.abs _section_cstart, $3  }
0xc6: {  	[dreg:$0x1] =	wrdreg $0xFFFFFFFF  }
0xc7: {  	_ =	task.clear_ibuf [dreg:s8], $0x2FFFF;
	_ =	strace $0x9FFFFFFF  }
0xc8: {  	(tm) =	ssettm $0x7FFFFFFF  }
0xc9: {  	_ =	shalt  }
tec
execute0_lowered:
.L_overlay_start_1:
0x0: {  	(tag) =	ssettag $0x1  }
0x1: {  	s3 =	rddreg [dreg:$0x0]  }
0x2: {  	s4 =	rddreg [dreg:$0x1]  }
0x3: {  	s2 =	srdreg.scid;
	s1 =	stileid.u32  }
0x4: {  	s0 =	rddreg [dreg:$0x2];
	s5 =	sand.u32 $0x1, s2;
	s6 =	sshll.u32 s1, $0x1  }
0x5: {  	s2 =	simm.s32 $0x0;
	s7 =	sshrl.u32 s1, $0x2;
	s6 =	sor.u32 s5, s6  }
0x6: {  	[smem:$0x7FF] =	sst s2;
	s7 =	smul.u32 $0x13C00, s7;
	s5 =	ssub.s32 $0x2, s5  }
0x7: {  	s8 =	sshll.u32 s6, $0x7;
	s6 =	smul.u32 $0x271, s6;
	s9 =	sshrl.u32 s5, $0x1  }
0x8: {  	_ =	strace $0x80000047;
	s8 =	sand.u32 $0x380, s8;
	s5 =	ssub.s32 s5, s9  }
0x9: {  	s9 =	simm.s32 $0x400;
	s7 =	sor.u32 s7, s8;
	s3 =	sadd.s32 s3, s6  }
0xa: {  	s5 =	smax.u32 s5, $0x1;
	s6 =	simm.s32 $0x1;
	s31 =	sshrl.u32 s7, $0x3  }
0xb: {  	v0 =	vimm.f32 $0.0e+00;
	v1 =	vimm.s32 $0x0;
	v2 =	vimm.f32 $1.000000000e+00;
	s8 =	simm.s32 $0x80;
	s7 =	simm.s32 $0x1400;
	s4 =	sadd.s32 s4, s31  }
.LBB2_1:
0xc: {  	s10 =	simm.s32 $0x40;
	s11 =	simm.s32 $0x0  }
.LBB2_2:
0xd: {  	p0 =	sne.s32 s10, $0x9C00;
	[tilespmem:s11+$0x1400] =	vst v0;
	s11 =	smov.u32 s10;
	s10 =	sadd.s32 $0x40, s10  }
.Ltmp0:
0xe: {  	(pc) =	sbr.rel @p0 .LBB2_2-.Ltmp0, $2  }
0xf: {  	_ =	sdelay $0x2  }
0x10: {  	s11 =	sshra.s32 s11, $0x2  }
0x11: {  	[tilespmem:s11+$0x1400] =	vst v0  }
0x12: {  	s10 =	simm.s32 $0x0;
	[tilespmem:$0x1388] =	vst v1  }
0x13: {  	[tilespmem:s10], [sflag:$0x1] =	stream.linear.gather [hbm4b:s3+s10], $0x1388, $0x38;
	[tilespmem:$0x3B80] =	vst v63  }
0x14: {  	_ =	swait.ge [sflag:s6], $0x1388  }
0x15: {  	[sflag:s6] =	ssyncset.done $0x0  }
0x16: {  	s11 =	simm.s32 $0x0;
	s10 =	simm.s32 $0x40;
	[sflag:s6] =	ssyncadd.s32 $0xFFFFEC78  }
.LBB2_4:
0x17: {  	p0 =	sne.s32 s10, $0x4DC0;
	v3 =	vld [tilespmem:s11+$0x0];
	_ =	sdelay $0x3  }
.Ltmp1:
0x18: {  	(pc) =	sbr.rel @p0 .LBB2_4-.Ltmp1, $2  }
0x19: {  	_ =	sdelay $0x2  }
0x1a: {  	s11 =	sshra.s32 s10, $0x2;
	s10 =	sadd.s32 $0x40, s10;
	[tilespmem:v3+s7+$0x0] =	vst.idx.add.f32.msk $0xffff, v2  }
0x1b: {  	v3 =	vld [tilespmem:s11+$0x0];
	_ =	sdelay $0x7  }
0x1c: {  	[tilespmem:v3+s7+$0x0] =	vst.idx.add.f32.msk $0xffff, v2  }
0x1d: {  	v3 =	vld [tilespmem:$0x1380];
	_ =	sdelay $0x5  }
0x1e: {  	s2 =	sadd.s32 $0x1, s2  }
0x1f: {  	p0 =	sne.s32 s2, s5  }
.Ltmp2:
0x20: {  	[tilespmem:v3+s7+$0x0] =	vst.idx.add.f32.msk $0xff, v2;
	(pc) =	sbr.rel @p0 .LBB2_1-.Ltmp2, $4  }
0x21: {  	[hbm4b:s4+s8] =	stream.strided.scatter [tilespmem:s7], [sflag:$0x1], $0x2780, s9, s8, $0x38;
	[tilespmem:$0x3B80] =	vst v63  }
0x22: {  	_ =	swait.ge [sflag:s6], $0x2780  }
0x23: {  	[sflag:s6] =	ssyncset.done $0x0  }
0x24: {  	[sflag:s6] =	ssyncadd.s32 $0xFFFFD880  }
0x25: {  	_ =	sfence.sel $0x180000  }
0x26: {  	[bflag:$0x0] =	sbarrier.arrive $0xFFFF  }
0x27: {  	p0 =	sne.s32 s1, $0x0;
	_ =	strace $0x90000047  }
0x28: {  	s0 =	sadd.s32 @!p0 $0x100000, s0;
	[bflag:$0x2] =	sbarrier.arrive $0xFFFF  }
0x29: {  	[sflag:s0] =	ssyncadd.tile.s32 @!p0 $0x1;
	_ =	shalt  }
.Lfunc_end2:
_tile_overlayer_lowered:
.L_overlay_start_2:
0x2a: {  	(tag) =	ssettag $0x2  }
0x2b: {  	s0 =	rddreg [dreg:$0x0];
	s2 =	stileid.u32  }
0x2c: {  	s1 =	rddreg [dreg:$0x1];
	p0 =	sne.s32 s2, $0x0  }
0x2d: {  	s3 =	rddreg [dreg:$0x2];
	[bflag:$0x3] =	sbarrier.arrive $0xFFFF;
	s2 =	simm.s32 @!p0 $0x1C01  }
0x2e: {  	[timem:s3], [sflag:s2] =	dma.local @!p0 [hbm:s0], s1  }
0x2f: {  	s0 =	simm.s32 @!p0 $0x1  }
0x30: {  	_ =	swait.ge @!p0 [sflag:s0], s1  }
0x31: {  	s1 =	ssub.s32 @!p0 $0x0, s1;
	[sflag:s0] =	ssyncset.done @!p0 $0x0  }
0x32: {  	[sflag:s0] =	ssyncadd.s32 @!p0 s1  }
0x33: {  	[bflag:$0x3] =	sbarrier.arrive $0xFFFF  }
0x34: {  	_ =	shalt  }

// kernel: kernel.13.cloned.1.call-start
scs
__scs_entry_jumppad:
0x0: {  	(pc) =	sbr.rel $0x88, $3  }
0x1: {  	(tag) =	ssettag $0x0;
	lr =	simm.s32 $0x1  }
0x2: {  	[smem:$0x3F8B] =	sst lr;
	_ =	strace $0xD0000000  }
0x3: {  	_ = 	snop  }
0x4: {  	_ = 	snop  }
0x5: {  	_ = 	snop  }
0x6: {  	_ = 	snop  }
0x7: {  	_ = 	snop  }
__scs_overlays_trampoline_lowered:
0x8: {  	[smem:$0x3F9A] =	sst s0  }
0x9: {  	[smem:$0x3F9B] =	sst s1  }
0xa: {  	[smem:$0x3F9C] =	sst s2  }
0xb: {  	[smem:$0x3F9D] =	sst s3  }
0xc: {  	[smem:$0x3F9E] =	sst s4  }
0xd: {  	[smem:$0x3F9F] =	sst s5  }
0xe: {  	[smem:$0x3FA0] =	sst s6  }
0xf: {  	[smem:$0x3FA1] =	sst s7  }
0x10: {  	[smem:$0x3FA2] =	sst s8  }
0x11: {  	[smem:$0x3FA3] =	sst s9;
	s0 =	simm.s32 @!p0 $0x0  }
0x12: {  	s1 =	sld [smem:$0x3F89];
	s0 =	simm.s32 @p0 $0x1  }
0x13: {  	[smem:$0x3FA4] =	sst s0;
	s0 =	simm.s32 @!p1 $0x0  }
0x14: {  	s2 =	sld [smem:$0x3F88];
	s0 =	simm.s32 @p1 $0x1  }
0x15: {  	[smem:$0x3FA5] =	sst s0;
	s0 =	simm.s32 @!p2 $0x0  }
0x16: {  	s3 =	sld [smem:$0x3FDB];
	s0 =	simm.s32 @p2 $0x1  }
0x17: {  	s4 =	simm.s32 $0x1BF5;
	[smem:$0x3FA7] =	sst s0  }
0x18: {  	s0 =	sld [smem:$0x3F8A];
	_ =	swait.ge [sflag:s4], $0x0  }
0x19: {  	s7 =	sld [smem:$0x3F8B]  }
0x1a: {  	s8 =	sadd.s32 $0xFFFFE003, lr  }
0x1b: {  	s9 =	sadd.s32 $0xFFFFFEF7, lr;
	s5 =	simm.s32 $0xFFFFFFFF;
	p2 =	slt.u32 s8, $0xFFFFF086  }
0x1c: {  	p1 =	slt.u32 s9, $0xF7A;
	s5 =	simm.s32 @!p2 $0x0  }
0x1d: {  	s5 =	simm.s32 @p1 $0x1;
	p0 =	seq.s32 s7, s2  }
0x1e: {  	s7 =	smul.u32 @!p0 $0xF7A, s2;
	p2 =	seq.s32 @!p0 s5, $0x0  }
0x1f: {  	s9 =	smul.u32 $0xF7A, s1;
	s8 =	simm.s32 @!p0 $0x1BF5;
	p2 =	por !p2, p0  }
0x20: {  	[sflag:s8] =	ssyncset.s32 @!p0 $0xFFFFF086;
	s6 =	sadd.s32 @!p0 s3, s7;
	s7 =	simm.s32 @!p0 $0x108  }
0x21: {  	s3 =	sadd.s32 s3, s9;
	s6 =	sadd.s32 @!p0 $0x88, s6;
	s7 =	simm.s32 @p2 $0x1082  }
0x22: {  	[simem:s7], [sflag:s8] =	dma.local @!p0 [hbm:s6], $0xF7A  }
0x23: {  	s9 =	sor.u32 $0xD0000000, s2;
	s6 =	simm.s32 $0x108;
	_ =	swait.ge @!p0 [sflag:s8], $0x0  }
0x24: {  	s3 =	sadd.s32 $0x88, s3;
	s6 =	simm.s32 @!p1 $0x1082;
	[sflag:s4] =	ssyncset.s32 $0xFFFFF086  }
0x25: {  	[simem:s6], [sflag:s4] =	dma.local [hbm:s3], $0xF7A  }
0x26: {  	[smem:$0x3F8B] =	sst s1;
	(tag) =	ssettag s2;
	_ =	strace s9  }
0x27: {  	s1 =	sld [smem:$0x3F9B]  }
0x28: {  	s2 =	sld [smem:$0x3F9C]  }
0x29: {  	s4 =	sld [smem:$0x3F9E]  }
0x2a: {  	p0 =	seq.s32 s5, $0x0;
	s5 =	sld [smem:$0x3F9F]  }
0x2b: {  	s6 =	sld [smem:$0x3FA0]  }
0x2c: {  	s7 =	sld [smem:$0x3FA1]  }
0x2d: {  	s3 =	simm.s32 $0x108;
	s8 =	sld [smem:$0x3FA2]  }
0x2e: {  	s3 =	simm.s32 @!p0 $0x1082;
	s9 =	sld [smem:$0x3FA3]  }
0x2f: {  	lr =	sadd.s32 s0, s3;
	s0 =	sld [smem:$0x3F9A]  }
0x30: {  	s3 =	sld [smem:$0x3F9D]  }
0x31: {  	[smem:$0x3FA6] =	sst s10  }
0x32: {  	s10 =	sld [smem:$0x3FA4];
	_ =	sdelay $0x3  }
0x33: {  	p0 =	seq.s32 s10, $0x1;
	s10 =	sld [smem:$0x3FA6];
	_ =	sdelay $0x3  }
0x34: {  	[smem:$0x3FA6] =	sst s10  }
0x35: {  	s10 =	sld [smem:$0x3FA5];
	_ =	sdelay $0x3  }
0x36: {  	p1 =	seq.s32 s10, $0x1;
	s10 =	sld [smem:$0x3FA6];
	_ =	sdelay $0x3  }
0x37: {  	[smem:$0x3FA6] =	sst s10  }
0x38: {  	s10 =	sld [smem:$0x3FA7]  }
0x39: {  	_ = 	snop;
	(pc) =	sbr.ind lr, $3  }
0x3a: {  	_ = 	snop  }
0x3b: {  	_ = 	snop  }
0x3c: {  	p2 =	seq.s32 s10, $0x1;
	s10 =	sld [smem:$0x3FA6]  }
0x3d: {  	_ =	shalt  }
0x3e: {  	_ =	shalt  }
0x3f: {  	_ =	shalt  }
0x40: {  	_ =	shalt  }
0x41: {  	_ =	shalt  }
0x42: {  	_ =	shalt  }
0x43: {  	_ =	shalt  }
0x44: {  	_ =	shalt  }
0x45: {  	_ =	shalt  }
0x46: {  	_ =	shalt  }
0x47: {  	_ =	shalt  }
0x48: {  	_ =	shalt  }
0x49: {  	_ =	shalt  }
0x4a: {  	_ =	shalt  }
0x4b: {  	_ =	shalt  }
0x4c: {  	_ =	shalt  }
0x4d: {  	_ =	shalt  }
0x4e: {  	_ =	shalt  }
0x4f: {  	_ =	shalt  }
0x50: {  	_ =	shalt  }
0x51: {  	_ =	shalt  }
0x52: {  	_ =	shalt  }
0x53: {  	_ =	shalt  }
0x54: {  	_ =	shalt  }
0x55: {  	_ =	shalt  }
0x56: {  	_ =	shalt  }
0x57: {  	_ =	shalt  }
0x58: {  	_ =	shalt  }
0x59: {  	_ =	shalt  }
0x5a: {  	_ =	shalt  }
0x5b: {  	_ =	shalt  }
0x5c: {  	_ =	shalt  }
0x5d: {  	_ =	shalt  }
0x5e: {  	_ =	shalt  }
0x5f: {  	_ =	shalt  }
0x60: {  	_ =	shalt  }
0x61: {  	_ =	shalt  }
0x62: {  	_ =	shalt  }
0x63: {  	_ =	shalt  }
0x64: {  	_ =	shalt  }
0x65: {  	_ =	shalt  }
0x66: {  	_ =	shalt  }
0x67: {  	_ =	shalt  }
0x68: {  	_ =	shalt  }
0x69: {  	_ =	shalt  }
0x6a: {  	_ =	shalt  }
0x6b: {  	_ =	shalt  }
0x6c: {  	_ =	shalt  }
0x6d: {  	_ =	shalt  }
0x6e: {  	_ =	shalt  }
0x6f: {  	_ =	shalt  }
0x70: {  	_ =	shalt  }
0x71: {  	_ =	shalt  }
0x72: {  	_ =	shalt  }
0x73: {  	_ =	shalt  }
0x74: {  	_ =	shalt  }
0x75: {  	_ =	shalt  }
0x76: {  	_ =	shalt  }
0x77: {  	_ =	shalt  }
0x78: {  	_ =	shalt  }
0x79: {  	_ =	shalt  }
0x7a: {  	_ =	shalt  }
0x7b: {  	_ =	shalt  }
0x7c: {  	_ =	shalt  }
0x7d: {  	_ =	shalt  }
0x7e: {  	_ =	shalt  }
0x7f: {  	_ =	shalt  }
0x80: {  	_ =	shalt  }
0x81: {  	_ =	shalt  }
0x82: {  	_ =	shalt  }
0x83: {  	_ =	shalt  }
0x84: {  	_ =	shalt  }
0x85: {  	_ =	shalt  }
0x86: {  	_ =	shalt  }
0x87: {  	_ =	shalt  }
.Lfunc_end0:
.L_simem_size_0:
called_computation.1_lowered:
.L_overlay_start_0:
0x88: {  	s2 =	sld [smem:$0x3FD9]  }
0x89: {  	s3 =	sld [smem:$0x3FFE];
	_ =	sdelay $0x1  }
0x8a: {  	s1 =	srdreg.scid  }
0x8b: {  	s0 =	sand.u32 $0x1, s1  }
0x8c: {  	s15 =	sshll.u32 s0, $0xA;
	s2 =	sadd.s32 s3, s2  }
0x8d: {  	s2 =	sadd.s32 s2, s15  }
0x8e: {  	[smem:$0x3FB2] =	sst s2  }
0x8f: {  	_ = 	snop  }
0x90: {  	s2 =	sld [smem:$0x3FD0];
	_ =	sdelay $0x2  }
0x91: {  	s16 =	simm.s32 $0xA;
	s4 =	simm.s32 $0x10  }
0x92: {  	[smem:s4], [sflag:s16] =	dma.local [hbm:s2], $0x1  }
0x93: {  	_ =	swait.eq [sflag:s16], $0x1  }
0x94: {  	s17 =	sld [smem:$0x10]  }
0x95: {  	s18 =	sld [smem:$0x12]  }
0x96: {  	s5 =	sld [smem:$0x13];
	[sflag:s16] =	ssyncset.done $0x0  }
0x97: {  	s6 =	sld [smem:$0x14];
	[sflag:s16] =	ssyncadd.s32 $0xFFFFFFFF  }
0x98: {  	s19 =	sld [smem:$0x16];
	(tm) =	ssettm $0x1  }
0x99: {  	s7 =	sld [smem:$0x3FFB];
	_ =	sdelay $0x3  }
0x9a: {  	_ =	strace s7  }
0x9b: {  	s7 =	sld [smem:$0x3FFC];
	_ =	sdelay $0x3  }
0x9c: {  	_ =	strace s7  }
0x9d: {  	s7 =	sld [smem:$0x3FFD];
	_ =	sdelay $0x3  }
0x9e: {  	_ =	strace s7  }
0x9f: {  	_ =	strace $0x8FFFFFFF  }
0xa0: {  	s20 =	sld [smem:$0x3FDB];
	_ =	sdelay $0x1  }
0xa1: {  	s8 =	simm.s32 $_scs_section_size  }
0xa2: {  	s9 =	simm.s32 $_size__tile_overlayer_lowered;
	s10 =	simm.s32 $_tile_overlayer_lowered  }
0xa3: {  	s23 =	simm.s32 $0x1BFF;
	s22 =	sshll.u32 s10, $0x1;
	s7 =	sadd.s32 s8, s20  }
0xa4: {  	s11 =	simm.s32 $0x0;
	s21 =	sshll.u32 s9, $0x1;
	s9 =	sadd.s32 s22, s7  }
0xa5: {  	[timem:s11], [sflag:s23] =	dma.local [hbm:s9], s21  }
0xa6: {  	_ =	swait.ge [sflag:s23], s21  }
0xa7: {  	s8 =	ssub.s32 $0x0, s21;
	[sflag:s23] =	ssyncset.done $0x0  }
0xa8: {  	[sflag:s23] =	ssyncadd.s32 s8;
	_ =	sdelay $0x1  }
0xa9: {  	s24 =	simm.s32 $0x1B8B  }
0xaa: {  	_ =	swait.ge [sflag:s24], $0x1  }
0xab: {  	[sflag:s24] =	ssyncset.done $0x0  }
0xac: {  	s25 =	simm.s32 $0x1B8E;
	[sflag:s24] =	ssyncadd.s32 $0xFFFFFFFF  }
0xad: {  	s26 =	simm.s32 $execute0_lowered;
	[smem:$0x3FD2] =	sst s25  }
0xae: {  	s8 =	sshll.u32 s26, $0x1;
	_ =	strace $0x80000049;
	[dreg:$0x1] =	wrdreg $0xFFFFFFFF  }
0xaf: {  	s28 =	simm.s32 $_size_execute0_lowered;
	s7 =	sadd.s32 s7, s8;
	[dreg:$0x0] =	wrdreg $0x0  }
0xb0: {  	s8 =	sshll.u32 s28, $0x1;
	[dreg:$0x2] =	wrdreg s7  }
0xb1: {  	[dreg:$0x3] =	wrdreg s8  }
0xb2: {  	[dreg:$0x4] =	wrdreg $0xC0  }
0xb3: {  	_ =	task [dreg:s11], $0x5FFFF  }
0xb4: {  	[dreg:$0x1] =	wrdreg $0xFFFFFFFF  }
0xb5: {  	[dreg:$0x0] =	wrdreg $0x60  }
0xb6: {  	[dreg:$0x2] =	wrdreg s19  }
0xb7: {  	[dreg:$0x3] =	wrdreg s5  }
0xb8: {  	[dreg:$0x4] =	wrdreg s18  }
0xb9: {  	[dreg:$0x5] =	wrdreg s17  }
0xba: {  	[dreg:$0x6] =	wrdreg s6  }
0xbb: {  	[dreg:$0x7] =	wrdreg $0x94000  }
0xbc: {  	[dreg:$0x8] =	wrdreg $0x9  }
0xbd: {  	_ =	task.clear_ibuf [dreg:s11], $0x9FFFF;
	_ =	strace $0x90000049  }
0xbe: {  	s29 =	simm.s32 $0x9;
	_ =	strace $0x8000004B  }
0xbf: {  	_ =	swait.ge [sflag:s29], $0x1  }
0xc0: {  	[sflag:s29] =	ssyncadd.s32 $0xFFFFFFFF  }
0xc1: {  	_ =	strace $0x9000004B  }
0xc2: {  	_ =	sfence  }
0xc3: {  	s30 =	sld [smem:$0x0];
	_ =	sdelay $0x2  }
0xc4: {  	s31 =	sshll.u32 s1, $0xD;
	s1 =	sshrl.u32 s1, $0x2  }
0xc5: {  	s3 =	sand.u32 $0x4000, s31;
	s1 =	sadd.s32 s1, s30  }
0xc6: {  	s0 =	sor.u32 s3, s0;
	s1 =	sshll.u32 s1, $0x11  }
0xc7: {  	s0 =	sor.u32 s1, s0  }
0xc8: {  	s0 =	sadd.s32 $0x8F2B, s0  }
0xc9: {  	[sflag:s0] =	ssyncadd.remote.s32 $0x1  }
0xca: {  	_ =	sfence.sel $0xFFFF  }
0xcb: {  	[dreg:$0x0] =	wrdreg $0xFFFFFFFF;
	(pc) =	sbr.abs _section_cstart, $3  }
0xcc: {  	[dreg:$0x1] =	wrdreg $0xFFFFFFFF  }
0xcd: {  	_ =	task.clear_ibuf [dreg:s11], $0x2FFFF;
	_ =	strace $0x9FFFFFFF  }
0xce: {  	(tm) =	ssettm $0x7FFFFFFF  }
0xcf: {  	_ =	shalt  }
tec
execute0_lowered:
.L_overlay_start_1:
0x0: {  	(tag) =	ssettag $0x1  }
0x1: {  	s1 =	rddreg [dreg:$0x0]  }
0x2: {  	s6 =	rddreg [dreg:$0x1]  }
0x3: {  	s7 =	rddreg [dreg:$0x2]  }
0x4: {  	s2 =	rddreg [dreg:$0x3]  }
0x5: {  	s8 =	rddreg [dreg:$0x4]  }
0x6: {  	s3 =	rddreg [dreg:$0x5]  }
0x7: {  	s0 =	rddreg [dreg:$0x6];
	s5 =	simm.s32 $0x0;
	s9 =	srdreg.scid  }
0x8: {  	s4 =	stileid.u32;
	s15 =	simm.s32 $0x1;
	[smem:$0x7FF] =	sst s5  }
0x9: {  	s9 =	sand.u32 $0x1, s9;
	s11 =	smul.u32 $0x280, s4;
	s13 =	sshll.u32 s4, $0xC  }
0xa: {  	s31 =	sshll.u32 s4, $0x6;
	_ =	strace $0x8000004A;
	s10 =	ssub.s32 $0x2, s9  }
0xb: {  	s14 =	sshll.u32 s9, $0xB;
	s9 =	smul.u32 $0x27100, s9;
	s12 =	sshrl.u32 s10, $0x1  }
0xc: {  	s13 =	sor.u32 s14, s13;
	s11 =	smin.u32 s11, $0x2490;
	s14 =	simm.s32 $0x8000  }
0xd: {  	s10 =	ssub.s32 s10, s12;
	s6 =	sadd.s32 s6, s13;
	s30 =	sshll.u32 s11, $0x7  }
0xe: {  	s7 =	sadd.s32 s7, s13;
	s16 =	sadd.s32 s8, s9;
	s17 =	sshll.u32 s11, $0x4  }
0xf: {  	s9 =	simm.s32 $0x2;
	s11 =	sor.u32 $0x1C02, s31;
	s13 =	simm.s32 $0x28  }
0x10: {  	s12 =	sadd.s32 s30, s3;
	s8 =	smax.u32 s10, $0x1;
	s10 =	simm.s32 $0x4000  }
0x11: {  	s16 =	sadd.s32 s17, s16;
	s17 =	simm.s32 $0x0;
	s12 =	sshrl.u32 s12, $0x3  }
.LBB2_1:
0x12: {  	[tilespmem:s5], [sflag:$0x2] =	stream.linear.gather [hbm4b:s6+s5], $0x3E80, $0x38;
	[tilespmem:$0x1CC80] =	vst v63  }
0x13: {  	_ =	swait.ge [sflag:s9], $0x3E80  }
0x14: {  	[sflag:s9] =	ssyncset.done $0x0  }
0x15: {  	[sflag:s9] =	ssyncadd.s32 $0xFFFFC180  }
0x16: {  	[tilespmem:s10], [sflag:$0x2] =	stream.linear.gather [hbm4b:s7+s5], $0x3E80, $0x38;
	[tilespmem:$0x1CC80] =	vst v63  }
0x17: {  	_ =	swait.ge [sflag:s9], $0x3E80  }
0x18: {  	[sflag:s9] =	ssyncset.done $0x0  }
0x19: {  	[sflag:s9] =	ssyncadd.s32 $0xFFFFC180  }
0x1a: {  	[spmem:s12], [sflag:s11] =	dma.local [hbm:s2], $0x2800  }
0x1b: {  	_ =	swait.ge [sflag:s9], $0x2800  }
0x1c: {  	[sflag:s9] =	ssyncset.done $0x0  }
0x1d: {  	[sflag:s9] =	ssyncadd.s32 $0xFFFFD800  }
0x1e: {  	s18 =	simm.s32 $0x0;
	[bflag:$0x0] =	sbarrier.arrive $0xFFFF  }
0x1f: {  	[tilespmem:s14], [sflag:$0x1] =	stream.indirect.gather [hbm4b:s1+s13], $0x80, s18, s13, $0xb8;
	[tilespmem:$0x1CC80] =	vst v63  }
0x20: {  	_ =	swait.ge [sflag:s15], $0x1400  }
0x21: {  	[sflag:s15] =	ssyncset.done $0x0  }
0x22: {  	s31 =	simm.s32 $0x4000;
	[sflag:s15] =	ssyncadd.s32 $0xFFFFEC00  }
0x23: {  	[spmem:s3] =	stream.indirect.scatter.add.f32 [tilespmem:s14], [sflag:$0x2], $0x80, s31, s13, $0xb8;
	[tilespmem:$0x1CC80] =	vst v63  }
0x24: {  	_ =	swait.ge [sflag:s9], $0x1400  }
0x25: {  	s19 =	simm.s32 $0x400;
	s18 =	simm.s32 $0x200;
	[sflag:s9] =	ssyncset.done $0x0  }
.LBB2_2:
0x26: {  	s20 =	sshra.s32 s18, $0x2  }
0x27: {  	[sflag:s9] =	ssyncadd.s32 $0xFFFFEC00;
	s18 =	smov.u32 s19;
	s21 =	sadd.s32 $0x200, s19  }
0x28: {  	[tilespmem:s14], [sflag:$0x1] =	stream.indirect.gather [hbm4b:s1+s13], $0x80, s20, s13, $0xb8;
	[tilespmem:$0x1CC80] =	vst v63  }
0x29: {  	p0 =	sne.s32 s19, $0xF800;
	_ =	swait.ge [sflag:s15], $0x1400  }
.Ltmp0:
0x2a: {  	[sflag:s15] =	ssyncset.done $0x0;
	(pc) =	sbr.rel @p0 .LBB2_2-.Ltmp0, $4  }
0x2b: {  	s19 =	sadd.s32 $0x4000, s20;
	[sflag:s15] =	ssyncadd.s32 $0xFFFFEC00  }
0x2c: {  	[spmem:s3] =	stream.indirect.scatter.add.f32 [tilespmem:s14], [sflag:$0x2], $0x80, s19, s13, $0xb8;
	[tilespmem:$0x1CC80] =	vst v63  }
0x2d: {  	_ =	swait.ge [sflag:s9], $0x1400  }
0x2e: {  	s19 =	smov.u32 s21;
	[sflag:s9] =	ssyncset.done $0x0  }
0x2f: {  	s18 =	sshra.s32 s18, $0x2;
	[sflag:s9] =	ssyncadd.s32 $0xFFFFEC00  }
0x30: {  	[tilespmem:s14], [sflag:$0x1] =	stream.indirect.gather [hbm4b:s1+s13], $0x80, s18, s13, $0xb8;
	[tilespmem:$0x1CC80] =	vst v63  }
0x31: {  	_ =	swait.ge [sflag:s15], $0x1400  }
0x32: {  	[sflag:s15] =	ssyncset.done $0x0  }
0x33: {  	s18 =	sadd.s32 $0x4000, s18;
	[sflag:s15] =	ssyncadd.s32 $0xFFFFEC00  }
0x34: {  	[spmem:s3] =	stream.indirect.scatter.add.f32 [tilespmem:s14], [sflag:$0x2], $0x80, s18, s13, $0xb8;
	[tilespmem:$0x1CC80] =	vst v63  }
0x35: {  	_ =	swait.ge [sflag:s9], $0x1400  }
0x36: {  	s17 =	sadd.s32 $0x1, s17;
	[sflag:s9] =	ssyncset.done $0x0  }
0x37: {  	p0 =	sne.s32 s17, s8;
	[sflag:s9] =	ssyncadd.s32 $0xFFFFEC00  }
.Ltmp1:
0x38: {  	[bflag:$0x0] =	sbarrier.arrive $0xFFFF;
	(pc) =	sbr.rel @p0 .LBB2_1-.Ltmp1, $4  }
0x39: {  	[hbm:s16], [sflag:s11] =	dma.local [spmem:s12], $0x2800  }
0x3a: {  	_ =	swait.ge [sflag:s9], $0x2800  }
0x3b: {  	[sflag:s9] =	ssyncset.done $0x0  }
0x3c: {  	[sflag:s9] =	ssyncadd.s32 $0xFFFFD800  }
0x3d: {  	_ =	sfence.sel $0x180000  }
0x3e: {  	[bflag:$0x0] =	sbarrier.arrive $0xFFFF  }
0x3f: {  	p0 =	sne.s32 s4, $0x0;
	_ =	strace $0x9000004A  }
0x40: {  	s0 =	sadd.s32 @!p0 $0x100000, s0;
	[bflag:$0x2] =	sbarrier.arrive $0xFFFF  }
0x41: {  	[sflag:s0] =	ssyncadd.tile.s32 @!p0 $0x1;
	_ =	shalt  }
.Lfunc_end2:
_tile_overlayer_lowered:
.L_overlay_start_2:
0x42: {  	(tag) =	ssettag $0x2  }
0x43: {  	s0 =	rddreg [dreg:$0x0];
	s2 =	stileid.u32  }
0x44: {  	s1 =	rddreg [dreg:$0x1];
	p0 =	sne.s32 s2, $0x0  }
0x45: {  	s3 =	rddreg [dreg:$0x2];
	[bflag:$0x3] =	sbarrier.arrive $0xFFFF;
	s2 =	simm.s32 @!p0 $0x1C02  }
0x46: {  	[timem:s3], [sflag:s2] =	dma.local @!p0 [hbm:s0], s1  }
0x47: {  	s0 =	simm.s32 @!p0 $0x2  }
0x48: {  	_ =	swait.ge @!p0 [sflag:s0], s1  }
0x49: {  	s1 =	ssub.s32 @!p0 $0x0, s1;
	[sflag:s0] =	ssyncset.done @!p0 $0x0  }
0x4a: {  	[sflag:s0] =	ssyncadd.s32 @!p0 s1  }
0x4b: {  	[bflag:$0x3] =	sbarrier.arrive $0xFFFF  }
0x4c: {  	_ =	shalt  }

// kernel: kernel.16.cloned.1.call-start
scs
__scs_entry_jumppad:
0x0: {  	(pc) =	sbr.rel $0x88, $3  }
0x1: {  	(tag) =	ssettag $0x0;
	lr =	simm.s32 $0x1  }
0x2: {  	[smem:$0x3F8B] =	sst lr;
	_ =	strace $0xD0000000  }
0x3: {  	_ = 	snop  }
0x4: {  	_ = 	snop  }
0x5: {  	_ = 	snop  }
0x6: {  	_ = 	snop  }
0x7: {  	_ = 	snop  }
__scs_overlays_trampoline_lowered:
0x8: {  	[smem:$0x3F9A] =	sst s0  }
0x9: {  	[smem:$0x3F9B] =	sst s1  }
0xa: {  	[smem:$0x3F9C] =	sst s2  }
0xb: {  	[smem:$0x3F9D] =	sst s3  }
0xc: {  	[smem:$0x3F9E] =	sst s4  }
0xd: {  	[smem:$0x3F9F] =	sst s5  }
0xe: {  	[smem:$0x3FA0] =	sst s6  }
0xf: {  	[smem:$0x3FA1] =	sst s7  }
0x10: {  	[smem:$0x3FA2] =	sst s8  }
0x11: {  	[smem:$0x3FA3] =	sst s9;
	s0 =	simm.s32 @!p0 $0x0  }
0x12: {  	s1 =	sld [smem:$0x3F89];
	s0 =	simm.s32 @p0 $0x1  }
0x13: {  	[smem:$0x3FA4] =	sst s0;
	s0 =	simm.s32 @!p1 $0x0  }
0x14: {  	s2 =	sld [smem:$0x3F88];
	s0 =	simm.s32 @p1 $0x1  }
0x15: {  	[smem:$0x3FA5] =	sst s0;
	s0 =	simm.s32 @!p2 $0x0  }
0x16: {  	s3 =	sld [smem:$0x3FDB];
	s0 =	simm.s32 @p2 $0x1  }
0x17: {  	s4 =	simm.s32 $0x1BF5;
	[smem:$0x3FA7] =	sst s0  }
0x18: {  	s0 =	sld [smem:$0x3F8A];
	_ =	swait.ge [sflag:s4], $0x0  }
0x19: {  	s7 =	sld [smem:$0x3F8B]  }
0x1a: {  	s8 =	sadd.s32 $0xFFFFE003, lr  }
0x1b: {  	s9 =	sadd.s32 $0xFFFFFEF7, lr;
	s5 =	simm.s32 $0xFFFFFFFF;
	p2 =	slt.u32 s8, $0xFFFFF086  }
0x1c: {  	p1 =	slt.u32 s9, $0xF7A;
	s5 =	simm.s32 @!p2 $0x0  }
0x1d: {  	s5 =	simm.s32 @p1 $0x1;
	p0 =	seq.s32 s7, s2  }
0x1e: {  	s7 =	smul.u32 @!p0 $0xF7A, s2;
	p2 =	seq.s32 @!p0 s5, $0x0  }
0x1f: {  	s9 =	smul.u32 $0xF7A, s1;
	s8 =	simm.s32 @!p0 $0x1BF5;
	p2 =	por !p2, p0  }
0x20: {  	[sflag:s8] =	ssyncset.s32 @!p0 $0xFFFFF086;
	s6 =	sadd.s32 @!p0 s3, s7;
	s7 =	simm.s32 @!p0 $0x108  }
0x21: {  	s3 =	sadd.s32 s3, s9;
	s6 =	sadd.s32 @!p0 $0x88, s6;
	s7 =	simm.s32 @p2 $0x1082  }
0x22: {  	[simem:s7], [sflag:s8] =	dma.local @!p0 [hbm:s6], $0xF7A  }
0x23: {  	s9 =	sor.u32 $0xD0000000, s2;
	s6 =	simm.s32 $0x108;
	_ =	swait.ge @!p0 [sflag:s8], $0x0  }
0x24: {  	s3 =	sadd.s32 $0x88, s3;
	s6 =	simm.s32 @!p1 $0x1082;
	[sflag:s4] =	ssyncset.s32 $0xFFFFF086  }
0x25: {  	[simem:s6], [sflag:s4] =	dma.local [hbm:s3], $0xF7A  }
0x26: {  	[smem:$0x3F8B] =	sst s1;
	(tag) =	ssettag s2;
	_ =	strace s9  }
0x27: {  	s1 =	sld [smem:$0x3F9B]  }
0x28: {  	s2 =	sld [smem:$0x3F9C]  }
0x29: {  	s4 =	sld [smem:$0x3F9E]  }
0x2a: {  	p0 =	seq.s32 s5, $0x0;
	s5 =	sld [smem:$0x3F9F]  }
0x2b: {  	s6 =	sld [smem:$0x3FA0]  }
0x2c: {  	s7 =	sld [smem:$0x3FA1]  }
0x2d: {  	s3 =	simm.s32 $0x108;
	s8 =	sld [smem:$0x3FA2]  }
0x2e: {  	s3 =	simm.s32 @!p0 $0x1082;
	s9 =	sld [smem:$0x3FA3]  }
0x2f: {  	lr =	sadd.s32 s0, s3;
	s0 =	sld [smem:$0x3F9A]  }
0x30: {  	s3 =	sld [smem:$0x3F9D]  }
0x31: {  	[smem:$0x3FA6] =	sst s10  }
0x32: {  	s10 =	sld [smem:$0x3FA4];
	_ =	sdelay $0x3  }
0x33: {  	p0 =	seq.s32 s10, $0x1;
	s10 =	sld [smem:$0x3FA6];
	_ =	sdelay $0x3  }
0x34: {  	[smem:$0x3FA6] =	sst s10  }
0x35: {  	s10 =	sld [smem:$0x3FA5];
	_ =	sdelay $0x3  }
0x36: {  	p1 =	seq.s32 s10, $0x1;
	s10 =	sld [smem:$0x3FA6];
	_ =	sdelay $0x3  }
0x37: {  	[smem:$0x3FA6] =	sst s10  }
0x38: {  	s10 =	sld [smem:$0x3FA7]  }
0x39: {  	_ = 	snop;
	(pc) =	sbr.ind lr, $3  }
0x3a: {  	_ = 	snop  }
0x3b: {  	_ = 	snop  }
0x3c: {  	p2 =	seq.s32 s10, $0x1;
	s10 =	sld [smem:$0x3FA6]  }
0x3d: {  	_ =	shalt  }
0x3e: {  	_ =	shalt  }
0x3f: {  	_ =	shalt  }
0x40: {  	_ =	shalt  }
0x41: {  	_ =	shalt  }
0x42: {  	_ =	shalt  }
0x43: {  	_ =	shalt  }
0x44: {  	_ =	shalt  }
0x45: {  	_ =	shalt  }
0x46: {  	_ =	shalt  }
0x47: {  	_ =	shalt  }
0x48: {  	_ =	shalt  }
0x49: {  	_ =	shalt  }
0x4a: {  	_ =	shalt  }
0x4b: {  	_ =	shalt  }
0x4c: {  	_ =	shalt  }
0x4d: {  	_ =	shalt  }
0x4e: {  	_ =	shalt  }
0x4f: {  	_ =	shalt  }
0x50: {  	_ =	shalt  }
0x51: {  	_ =	shalt  }
0x52: {  	_ =	shalt  }
0x53: {  	_ =	shalt  }
0x54: {  	_ =	shalt  }
0x55: {  	_ =	shalt  }
0x56: {  	_ =	shalt  }
0x57: {  	_ =	shalt  }
0x58: {  	_ =	shalt  }
0x59: {  	_ =	shalt  }
0x5a: {  	_ =	shalt  }
0x5b: {  	_ =	shalt  }
0x5c: {  	_ =	shalt  }
0x5d: {  	_ =	shalt  }
0x5e: {  	_ =	shalt  }
0x5f: {  	_ =	shalt  }
0x60: {  	_ =	shalt  }
0x61: {  	_ =	shalt  }
0x62: {  	_ =	shalt  }
0x63: {  	_ =	shalt  }
0x64: {  	_ =	shalt  }
0x65: {  	_ =	shalt  }
0x66: {  	_ =	shalt  }
0x67: {  	_ =	shalt  }
0x68: {  	_ =	shalt  }
0x69: {  	_ =	shalt  }
0x6a: {  	_ =	shalt  }
0x6b: {  	_ =	shalt  }
0x6c: {  	_ =	shalt  }
0x6d: {  	_ =	shalt  }
0x6e: {  	_ =	shalt  }
0x6f: {  	_ =	shalt  }
0x70: {  	_ =	shalt  }
0x71: {  	_ =	shalt  }
0x72: {  	_ =	shalt  }
0x73: {  	_ =	shalt  }
0x74: {  	_ =	shalt  }
0x75: {  	_ =	shalt  }
0x76: {  	_ =	shalt  }
0x77: {  	_ =	shalt  }
0x78: {  	_ =	shalt  }
0x79: {  	_ =	shalt  }
0x7a: {  	_ =	shalt  }
0x7b: {  	_ =	shalt  }
0x7c: {  	_ =	shalt  }
0x7d: {  	_ =	shalt  }
0x7e: {  	_ =	shalt  }
0x7f: {  	_ =	shalt  }
0x80: {  	_ =	shalt  }
0x81: {  	_ =	shalt  }
0x82: {  	_ =	shalt  }
0x83: {  	_ =	shalt  }
0x84: {  	_ =	shalt  }
0x85: {  	_ =	shalt  }
0x86: {  	_ =	shalt  }
0x87: {  	_ =	shalt  }
.Lfunc_end0:
.L_simem_size_0:
called_computation.2_lowered:
.L_overlay_start_0:
0x88: {  	s2 =	sld [smem:$0x3FD9]  }
0x89: {  	s3 =	sld [smem:$0x3FFE];
	_ =	sdelay $0x1  }
0x8a: {  	s1 =	srdreg.scid  }
0x8b: {  	s0 =	sand.u32 $0x1, s1  }
0x8c: {  	s15 =	sshll.u32 s0, $0xA;
	s2 =	sadd.s32 s3, s2  }
0x8d: {  	s2 =	sadd.s32 s2, s15  }
0x8e: {  	[smem:$0x3FB2] =	sst s2  }
0x8f: {  	_ = 	snop  }
0x90: {  	s2 =	sld [smem:$0x3FD0];
	_ =	sdelay $0x2  }
0x91: {  	s16 =	simm.s32 $0xA;
	s4 =	simm.s32 $0x10  }
0x92: {  	[smem:s4], [sflag:s16] =	dma.local [hbm:s2], $0x1  }
0x93: {  	_ =	swait.eq [sflag:s16], $0x1  }
0x94: {  	s17 =	sld [smem:$0x10]  }
0x95: {  	s18 =	sld [smem:$0x12]  }
0x96: {  	s5 =	sld [smem:$0x13];
	[sflag:s16] =	ssyncset.done $0x0  }
0x97: {  	s6 =	sld [smem:$0x14];
	[sflag:s16] =	ssyncadd.s32 $0xFFFFFFFF  }
0x98: {  	s19 =	sld [smem:$0x16];
	(tm) =	ssettm $0x1  }
0x99: {  	s7 =	sld [smem:$0x3FFB];
	_ =	sdelay $0x3  }
0x9a: {  	_ =	strace s7  }
0x9b: {  	s7 =	sld [smem:$0x3FFC];
	_ =	sdelay $0x3  }
0x9c: {  	_ =	strace s7  }
0x9d: {  	s7 =	sld [smem:$0x3FFD];
	_ =	sdelay $0x3  }
0x9e: {  	_ =	strace s7  }
0x9f: {  	_ =	strace $0x8FFFFFFF  }
0xa0: {  	s20 =	sld [smem:$0x3FDB];
	_ =	sdelay $0x1  }
0xa1: {  	s8 =	simm.s32 $_scs_section_size  }
0xa2: {  	s9 =	simm.s32 $_size__tile_overlayer_lowered;
	s10 =	simm.s32 $_tile_overlayer_lowered  }
0xa3: {  	s23 =	simm.s32 $0x1BFF;
	s22 =	sshll.u32 s10, $0x1;
	s7 =	sadd.s32 s8, s20  }
0xa4: {  	s11 =	simm.s32 $0x0;
	s21 =	sshll.u32 s9, $0x1;
	s9 =	sadd.s32 s22, s7  }
0xa5: {  	[timem:s11], [sflag:s23] =	dma.local [hbm:s9], s21  }
0xa6: {  	_ =	swait.ge [sflag:s23], s21  }
0xa7: {  	s8 =	ssub.s32 $0x0, s21;
	[sflag:s23] =	ssyncset.done $0x0  }
0xa8: {  	[sflag:s23] =	ssyncadd.s32 s8;
	_ =	sdelay $0x1  }
0xa9: {  	s24 =	simm.s32 $0x1B8B  }
0xaa: {  	_ =	swait.ge [sflag:s24], $0x1  }
0xab: {  	[sflag:s24] =	ssyncset.done $0x0  }
0xac: {  	s25 =	simm.s32 $0x1B8E;
	[sflag:s24] =	ssyncadd.s32 $0xFFFFFFFF  }
0xad: {  	s26 =	simm.s32 $execute0_lowered;
	[smem:$0x3FD2] =	sst s25  }
0xae: {  	s8 =	sshll.u32 s26, $0x1;
	_ =	strace $0x8000004C;
	[dreg:$0x1] =	wrdreg $0xFFFFFFFF  }
0xaf: {  	s28 =	simm.s32 $_size_execute0_lowered;
	s7 =	sadd.s32 s7, s8;
	[dreg:$0x0] =	wrdreg $0x0  }
0xb0: {  	s8 =	sshll.u32 s28, $0x1;
	[dreg:$0x2] =	wrdreg s7  }
0xb1: {  	[dreg:$0x3] =	wrdreg s8  }
0xb2: {  	[dreg:$0x4] =	wrdreg $0xC0  }
0xb3: {  	_ =	task [dreg:s11], $0x5FFFF  }
0xb4: {  	[dreg:$0x1] =	wrdreg $0xFFFFFFFF  }
0xb5: {  	[dreg:$0x0] =	wrdreg $0x60  }
0xb6: {  	[dreg:$0x2] =	wrdreg s19  }
0xb7: {  	[dreg:$0x3] =	wrdreg s5  }
0xb8: {  	[dreg:$0x4] =	wrdreg s18  }
0xb9: {  	[dreg:$0x5] =	wrdreg s17  }
0xba: {  	[dreg:$0x6] =	wrdreg s6  }
0xbb: {  	[dreg:$0x7] =	wrdreg $0x94000  }
0xbc: {  	[dreg:$0x8] =	wrdreg $0x9  }
0xbd: {  	_ =	task.clear_ibuf [dreg:s11], $0x9FFFF;
	_ =	strace $0x9000004C  }
0xbe: {  	s29 =	simm.s32 $0x9;
	_ =	strace $0x8000004E  }
0xbf: {  	_ =	swait.ge [sflag:s29], $0x1  }
0xc0: {  	[sflag:s29] =	ssyncadd.s32 $0xFFFFFFFF  }
0xc1: {  	_ =	strace $0x9000004E  }
0xc2: {  	_ =	sfence  }
0xc3: {  	s30 =	sld [smem:$0x0];
	_ =	sdelay $0x2  }
0xc4: {  	s31 =	sshll.u32 s1, $0xD;
	s1 =	sshrl.u32 s1, $0x2  }
0xc5: {  	s3 =	sand.u32 $0x4000, s31;
	s1 =	sadd.s32 s1, s30  }
0xc6: {  	s0 =	sor.u32 s3, s0;
	s1 =	sshll.u32 s1, $0x11  }
0xc7: {  	s0 =	sor.u32 s1, s0  }
0xc8: {  	s0 =	sadd.s32 $0x8F2B, s0  }
0xc9: {  	[sflag:s0] =	ssyncadd.remote.s32 $0x1  }
0xca: {  	_ =	sfence.sel $0xFFFF  }
0xcb: {  	[dreg:$0x0] =	wrdreg $0xFFFFFFFF;
	(pc) =	sbr.abs _section_cstart, $3  }
0xcc: {  	[dreg:$0x1] =	wrdreg $0xFFFFFFFF  }
0xcd: {  	_ =	task.clear_ibuf [dreg:s11], $0x2FFFF;
	_ =	strace $0x9FFFFFFF  }
0xce: {  	(tm) =	ssettm $0x7FFFFFFF  }
0xcf: {  	_ =	shalt  }
tec
execute0_lowered:
.L_overlay_start_1:
0x0: {  	(tag) =	ssettag $0x1  }
0x1: {  	s1 =	rddreg [dreg:$0x0]  }
0x2: {  	s6 =	rddreg [dreg:$0x1]  }
0x3: {  	s7 =	rddreg [dreg:$0x2]  }
0x4: {  	s2 =	rddreg [dreg:$0x3]  }
0x5: {  	s8 =	rddreg [dreg:$0x4]  }
0x6: {  	s3 =	rddreg [dreg:$0x5]  }
0x7: {  	s0 =	rddreg [dreg:$0x6];
	s5 =	simm.s32 $0x0;
	s9 =	srdreg.scid  }
0x8: {  	s4 =	stileid.u32;
	s15 =	simm.s32 $0x1;
	[smem:$0x7FF] =	sst s5  }
0x9: {  	s9 =	sand.u32 $0x1, s9;
	s11 =	smul.u32 $0x280, s4;
	s13 =	sshll.u32 s4, $0xC  }
0xa: {  	s31 =	sshll.u32 s4, $0x6;
	_ =	strace $0x8000004D;
	s10 =	ssub.s32 $0x2, s9  }
0xb: {  	s14 =	sshll.u32 s9, $0xB;
	s9 =	smul.u32 $0x27100, s9;
	s12 =	sshrl.u32 s10, $0x1  }
0xc: {  	s13 =	sor.u32 s14, s13;
	s11 =	smin.u32 s11, $0x2490;
	s14 =	simm.s32 $0x8000  }
0xd: {  	s10 =	ssub.s32 s10, s12;
	s6 =	sadd.s32 s6, s13;
	s30 =	sshll.u32 s11, $0x7  }
0xe: {  	s7 =	sadd.s32 s7, s13;
	s16 =	sadd.s32 s8, s9;
	s17 =	sshll.u32 s11, $0x4  }
0xf: {  	s9 =	simm.s32 $0x2;
	s11 =	sor.u32 $0x1C02, s31;
	s13 =	simm.s32 $0x28  }
0x10: {  	s12 =	sadd.s32 s30, s3;
	s8 =	smax.u32 s10, $0x1;
	s10 =	simm.s32 $0x4000  }
0x11: {  	s16 =	sadd.s32 s17, s16;
	s17 =	simm.s32 $0x0;
	s12 =	sshrl.u32 s12, $0x3  }
.LBB2_1:
0x12: {  	[tilespmem:s5], [sflag:$0x2] =	stream.linear.gather [hbm4b:s6+s5], $0x3E80, $0x38;
	[tilespmem:$0x1CC80] =	vst v63  }
0x13: {  	_ =	swait.ge [sflag:s9], $0x3E80  }
0x14: {  	[sflag:s9] =	ssyncset.done $0x0  }
0x15: {  	[sflag:s9] =	ssyncadd.s32 $0xFFFFC180  }
0x16: {  	[tilespmem:s10], [sflag:$0x2] =	stream.linear.gather [hbm4b:s7+s5], $0x3E80, $0x38;
	[tilespmem:$0x1CC80] =	vst v63  }
0x17: {  	_ =	swait.ge [sflag:s9], $0x3E80  }
0x18: {  	[sflag:s9] =	ssyncset.done $0x0  }
0x19: {  	[sflag:s9] =	ssyncadd.s32 $0xFFFFC180  }
0x1a: {  	[spmem:s12], [sflag:s11] =	dma.local [hbm:s2], $0x2800  }
0x1b: {  	_ =	swait.ge [sflag:s9], $0x2800  }
0x1c: {  	[sflag:s9] =	ssyncset.done $0x0  }
0x1d: {  	[sflag:s9] =	ssyncadd.s32 $0xFFFFD800  }
0x1e: {  	s18 =	simm.s32 $0x0;
	[bflag:$0x0] =	sbarrier.arrive $0xFFFF  }
0x1f: {  	[tilespmem:s14], [sflag:$0x1] =	stream.indirect.gather [hbm4b:s1+s13], $0x80, s18, s13, $0xb8;
	[tilespmem:$0x1CC80] =	vst v63  }
0x20: {  	_ =	swait.ge [sflag:s15], $0x1400  }
0x21: {  	[sflag:s15] =	ssyncset.done $0x0  }
0x22: {  	s31 =	simm.s32 $0x4000;
	[sflag:s15] =	ssyncadd.s32 $0xFFFFEC00  }
0x23: {  	[spmem:s3] =	stream.indirect.scatter.add.f32 [tilespmem:s14], [sflag:$0x2], $0x80, s31, s13, $0xb8;
	[tilespmem:$0x1CC80] =	vst v63  }
0x24: {  	_ =	swait.ge [sflag:s9], $0x1400  }
0x25: {  	s19 =	simm.s32 $0x400;
	s18 =	simm.s32 $0x200;
	[sflag:s9] =	ssyncset.done $0x0  }
.LBB2_2:
0x26: {  	s20 =	sshra.s32 s18, $0x2  }
0x27: {  	[sflag:s9] =	ssyncadd.s32 $0xFFFFEC00;
	s18 =	smov.u32 s19;
	s21 =	sadd.s32 $0x200, s19  }
0x28: {  	[tilespmem:s14], [sflag:$0x1] =	stream.indirect.gather [hbm4b:s1+s13], $0x80, s20, s13, $0xb8;
	[tilespmem:$0x1CC80] =	vst v63  }
0x29: {  	p0 =	sne.s32 s19, $0xF800;
	_ =	swait.ge [sflag:s15], $0x1400  }
.Ltmp0:
0x2a: {  	[sflag:s15] =	ssyncset.done $0x0;
	(pc) =	sbr.rel @p0 .LBB2_2-.Ltmp0, $4  }
0x2b: {  	s19 =	sadd.s32 $0x4000, s20;
	[sflag:s15] =	ssyncadd.s32 $0xFFFFEC00  }
0x2c: {  	[spmem:s3] =	stream.indirect.scatter.add.f32 [tilespmem:s14], [sflag:$0x2], $0x80, s19, s13, $0xb8;
	[tilespmem:$0x1CC80] =	vst v63  }
0x2d: {  	_ =	swait.ge [sflag:s9], $0x1400  }
0x2e: {  	s19 =	smov.u32 s21;
	[sflag:s9] =	ssyncset.done $0x0  }
0x2f: {  	s18 =	sshra.s32 s18, $0x2;
	[sflag:s9] =	ssyncadd.s32 $0xFFFFEC00  }
0x30: {  	[tilespmem:s14], [sflag:$0x1] =	stream.indirect.gather [hbm4b:s1+s13], $0x80, s18, s13, $0xb8;
	[tilespmem:$0x1CC80] =	vst v63  }
0x31: {  	_ =	swait.ge [sflag:s15], $0x1400  }
0x32: {  	[sflag:s15] =	ssyncset.done $0x0  }
0x33: {  	s18 =	sadd.s32 $0x4000, s18;
	[sflag:s15] =	ssyncadd.s32 $0xFFFFEC00  }
0x34: {  	[spmem:s3] =	stream.indirect.scatter.add.f32 [tilespmem:s14], [sflag:$0x2], $0x80, s18, s13, $0xb8;
	[tilespmem:$0x1CC80] =	vst v63  }
0x35: {  	_ =	swait.ge [sflag:s9], $0x1400  }
0x36: {  	s17 =	sadd.s32 $0x1, s17;
	[sflag:s9] =	ssyncset.done $0x0  }
0x37: {  	p0 =	sne.s32 s17, s8;
	[sflag:s9] =	ssyncadd.s32 $0xFFFFEC00  }
.Ltmp1:
0x38: {  	[bflag:$0x0] =	sbarrier.arrive $0xFFFF;
	(pc) =	sbr.rel @p0 .LBB2_1-.Ltmp1, $4  }
0x39: {  	[hbm:s16], [sflag:s11] =	dma.local [spmem:s12], $0x2800  }
0x3a: {  	_ =	swait.ge [sflag:s9], $0x2800  }
0x3b: {  	[sflag:s9] =	ssyncset.done $0x0  }
0x3c: {  	[sflag:s9] =	ssyncadd.s32 $0xFFFFD800  }
0x3d: {  	_ =	sfence.sel $0x180000  }
0x3e: {  	[bflag:$0x0] =	sbarrier.arrive $0xFFFF  }
0x3f: {  	p0 =	sne.s32 s4, $0x0;
	_ =	strace $0x9000004D  }
0x40: {  	s0 =	sadd.s32 @!p0 $0x100000, s0;
	[bflag:$0x2] =	sbarrier.arrive $0xFFFF  }
0x41: {  	[sflag:s0] =	ssyncadd.tile.s32 @!p0 $0x1;
	_ =	shalt  }
.Lfunc_end2:
_tile_overlayer_lowered:
.L_overlay_start_2:
0x42: {  	(tag) =	ssettag $0x2  }
0x43: {  	s0 =	rddreg [dreg:$0x0];
	s2 =	stileid.u32  }
0x44: {  	s1 =	rddreg [dreg:$0x1];
	p0 =	sne.s32 s2, $0x0  }
0x45: {  	s3 =	rddreg [dreg:$0x2];
	[bflag:$0x3] =	sbarrier.arrive $0xFFFF;
	s2 =	simm.s32 @!p0 $0x1C02  }
0x46: {  	[timem:s3], [sflag:s2] =	dma.local @!p0 [hbm:s0], s1  }
0x47: {  	s0 =	simm.s32 @!p0 $0x2  }
0x48: {  	_ =	swait.ge @!p0 [sflag:s0], s1  }
0x49: {  	s1 =	ssub.s32 @!p0 $0x0, s1;
	[sflag:s0] =	ssyncset.done @!p0 $0x0  }
0x4a: {  	[sflag:s0] =	ssyncadd.s32 @!p0 s1  }
0x4b: {  	[bflag:$0x3] =	sbarrier.arrive $0xFFFF  }
0x4c: {  	_ =	shalt  }

// kernel: kernel.19.cloned.1.call-start
scs
__scs_entry_jumppad:
0x0: {  	(pc) =	sbr.rel $0x88, $3  }
0x1: {  	(tag) =	ssettag $0x0;
	lr =	simm.s32 $0x1  }
0x2: {  	[smem:$0x3F8B] =	sst lr;
	_ =	strace $0xD0000000  }
0x3: {  	_ = 	snop  }
0x4: {  	_ = 	snop  }
0x5: {  	_ = 	snop  }
0x6: {  	_ = 	snop  }
0x7: {  	_ = 	snop  }
__scs_overlays_trampoline_lowered:
0x8: {  	[smem:$0x3F9A] =	sst s0  }
0x9: {  	[smem:$0x3F9B] =	sst s1  }
0xa: {  	[smem:$0x3F9C] =	sst s2  }
0xb: {  	[smem:$0x3F9D] =	sst s3  }
0xc: {  	[smem:$0x3F9E] =	sst s4  }
0xd: {  	[smem:$0x3F9F] =	sst s5  }
0xe: {  	[smem:$0x3FA0] =	sst s6  }
0xf: {  	[smem:$0x3FA1] =	sst s7  }
0x10: {  	[smem:$0x3FA2] =	sst s8  }
0x11: {  	[smem:$0x3FA3] =	sst s9;
	s0 =	simm.s32 @!p0 $0x0  }
0x12: {  	s1 =	sld [smem:$0x3F89];
	s0 =	simm.s32 @p0 $0x1  }
0x13: {  	[smem:$0x3FA4] =	sst s0;
	s0 =	simm.s32 @!p1 $0x0  }
0x14: {  	s2 =	sld [smem:$0x3F88];
	s0 =	simm.s32 @p1 $0x1  }
0x15: {  	[smem:$0x3FA5] =	sst s0;
	s0 =	simm.s32 @!p2 $0x0  }
0x16: {  	s3 =	sld [smem:$0x3FDB];
	s0 =	simm.s32 @p2 $0x1  }
0x17: {  	s4 =	simm.s32 $0x1BF5;
	[smem:$0x3FA7] =	sst s0  }
0x18: {  	s0 =	sld [smem:$0x3F8A];
	_ =	swait.ge [sflag:s4], $0x0  }
0x19: {  	s7 =	sld [smem:$0x3F8B]  }
0x1a: {  	s8 =	sadd.s32 $0xFFFFE003, lr  }
0x1b: {  	s9 =	sadd.s32 $0xFFFFFEF7, lr;
	s5 =	simm.s32 $0xFFFFFFFF;
	p2 =	slt.u32 s8, $0xFFFFF086  }
0x1c: {  	p1 =	slt.u32 s9, $0xF7A;
	s5 =	simm.s32 @!p2 $0x0  }
0x1d: {  	s5 =	simm.s32 @p1 $0x1;
	p0 =	seq.s32 s7, s2  }
0x1e: {  	s7 =	smul.u32 @!p0 $0xF7A, s2;
	p2 =	seq.s32 @!p0 s5, $0x0  }
0x1f: {  	s9 =	smul.u32 $0xF7A, s1;
	s8 =	simm.s32 @!p0 $0x1BF5;
	p2 =	por !p2, p0  }
0x20: {  	[sflag:s8] =	ssyncset.s32 @!p0 $0xFFFFF086;
	s6 =	sadd.s32 @!p0 s3, s7;
	s7 =	simm.s32 @!p0 $0x108  }
0x21: {  	s3 =	sadd.s32 s3, s9;
	s6 =	sadd.s32 @!p0 $0x88, s6;
	s7 =	simm.s32 @p2 $0x1082  }
0x22: {  	[simem:s7], [sflag:s8] =	dma.local @!p0 [hbm:s6], $0xF7A  }
0x23: {  	s9 =	sor.u32 $0xD0000000, s2;
	s6 =	simm.s32 $0x108;
	_ =	swait.ge @!p0 [sflag:s8], $0x0  }
0x24: {  	s3 =	sadd.s32 $0x88, s3;
	s6 =	simm.s32 @!p1 $0x1082;
	[sflag:s4] =	ssyncset.s32 $0xFFFFF086  }
0x25: {  	[simem:s6], [sflag:s4] =	dma.local [hbm:s3], $0xF7A  }
0x26: {  	[smem:$0x3F8B] =	sst s1;
	(tag) =	ssettag s2;
	_ =	strace s9  }
0x27: {  	s1 =	sld [smem:$0x3F9B]  }
0x28: {  	s2 =	sld [smem:$0x3F9C]  }
0x29: {  	s4 =	sld [smem:$0x3F9E]  }
0x2a: {  	p0 =	seq.s32 s5, $0x0;
	s5 =	sld [smem:$0x3F9F]  }
0x2b: {  	s6 =	sld [smem:$0x3FA0]  }
0x2c: {  	s7 =	sld [smem:$0x3FA1]  }
0x2d: {  	s3 =	simm.s32 $0x108;
	s8 =	sld [smem:$0x3FA2]  }
0x2e: {  	s3 =	simm.s32 @!p0 $0x1082;
	s9 =	sld [smem:$0x3FA3]  }
0x2f: {  	lr =	sadd.s32 s0, s3;
	s0 =	sld [smem:$0x3F9A]  }
0x30: {  	s3 =	sld [smem:$0x3F9D]  }
0x31: {  	[smem:$0x3FA6] =	sst s10  }
0x32: {  	s10 =	sld [smem:$0x3FA4];
	_ =	sdelay $0x3  }
0x33: {  	p0 =	seq.s32 s10, $0x1;
	s10 =	sld [smem:$0x3FA6];
	_ =	sdelay $0x3  }
0x34: {  	[smem:$0x3FA6] =	sst s10  }
0x35: {  	s10 =	sld [smem:$0x3FA5];
	_ =	sdelay $0x3  }
0x36: {  	p1 =	seq.s32 s10, $0x1;
	s10 =	sld [smem:$0x3FA6];
	_ =	sdelay $0x3  }
0x37: {  	[smem:$0x3FA6] =	sst s10  }
0x38: {  	s10 =	sld [smem:$0x3FA7]  }
0x39: {  	_ = 	snop;
	(pc) =	sbr.ind lr, $3  }
0x3a: {  	_ = 	snop  }
0x3b: {  	_ = 	snop  }
0x3c: {  	p2 =	seq.s32 s10, $0x1;
	s10 =	sld [smem:$0x3FA6]  }
0x3d: {  	_ =	shalt  }
0x3e: {  	_ =	shalt  }
0x3f: {  	_ =	shalt  }
0x40: {  	_ =	shalt  }
0x41: {  	_ =	shalt  }
0x42: {  	_ =	shalt  }
0x43: {  	_ =	shalt  }
0x44: {  	_ =	shalt  }
0x45: {  	_ =	shalt  }
0x46: {  	_ =	shalt  }
0x47: {  	_ =	shalt  }
0x48: {  	_ =	shalt  }
0x49: {  	_ =	shalt  }
0x4a: {  	_ =	shalt  }
0x4b: {  	_ =	shalt  }
0x4c: {  	_ =	shalt  }
0x4d: {  	_ =	shalt  }
0x4e: {  	_ =	shalt  }
0x4f: {  	_ =	shalt  }
0x50: {  	_ =	shalt  }
0x51: {  	_ =	shalt  }
0x52: {  	_ =	shalt  }
0x53: {  	_ =	shalt  }
0x54: {  	_ =	shalt  }
0x55: {  	_ =	shalt  }
0x56: {  	_ =	shalt  }
0x57: {  	_ =	shalt  }
0x58: {  	_ =	shalt  }
0x59: {  	_ =	shalt  }
0x5a: {  	_ =	shalt  }
0x5b: {  	_ =	shalt  }
0x5c: {  	_ =	shalt  }
0x5d: {  	_ =	shalt  }
0x5e: {  	_ =	shalt  }
0x5f: {  	_ =	shalt  }
0x60: {  	_ =	shalt  }
0x61: {  	_ =	shalt  }
0x62: {  	_ =	shalt  }
0x63: {  	_ =	shalt  }
0x64: {  	_ =	shalt  }
0x65: {  	_ =	shalt  }
0x66: {  	_ =	shalt  }
0x67: {  	_ =	shalt  }
0x68: {  	_ =	shalt  }
0x69: {  	_ =	shalt  }
0x6a: {  	_ =	shalt  }
0x6b: {  	_ =	shalt  }
0x6c: {  	_ =	shalt  }
0x6d: {  	_ =	shalt  }
0x6e: {  	_ =	shalt  }
0x6f: {  	_ =	shalt  }
0x70: {  	_ =	shalt  }
0x71: {  	_ =	shalt  }
0x72: {  	_ =	shalt  }
0x73: {  	_ =	shalt  }
0x74: {  	_ =	shalt  }
0x75: {  	_ =	shalt  }
0x76: {  	_ =	shalt  }
0x77: {  	_ =	shalt  }
0x78: {  	_ =	shalt  }
0x79: {  	_ =	shalt  }
0x7a: {  	_ =	shalt  }
0x7b: {  	_ =	shalt  }
0x7c: {  	_ =	shalt  }
0x7d: {  	_ =	shalt  }
0x7e: {  	_ =	shalt  }
0x7f: {  	_ =	shalt  }
0x80: {  	_ =	shalt  }
0x81: {  	_ =	shalt  }
0x82: {  	_ =	shalt  }
0x83: {  	_ =	shalt  }
0x84: {  	_ =	shalt  }
0x85: {  	_ =	shalt  }
0x86: {  	_ =	shalt  }
0x87: {  	_ =	shalt  }
.Lfunc_end0:
.L_simem_size_0:
called_computation.3_lowered:
.L_overlay_start_0:
0x88: {  	s2 =	sld [smem:$0x3FD9]  }
0x89: {  	s3 =	sld [smem:$0x3FFE];
	_ =	sdelay $0x1  }
0x8a: {  	s1 =	srdreg.scid  }
0x8b: {  	s0 =	sand.u32 $0x1, s1  }
0x8c: {  	s14 =	sshll.u32 s0, $0xA;
	s2 =	sadd.s32 s3, s2  }
0x8d: {  	s2 =	sadd.s32 s2, s14  }
0x8e: {  	[smem:$0x3FB2] =	sst s2  }
0x8f: {  	_ = 	snop  }
0x90: {  	s2 =	sld [smem:$0x3FD0];
	_ =	sdelay $0x2  }
0x91: {  	s15 =	simm.s32 $0xA;
	s4 =	simm.s32 $0x10  }
0x92: {  	[smem:s4], [sflag:s15] =	dma.local [hbm:s2], $0x1  }
0x93: {  	_ =	swait.eq [sflag:s15], $0x1  }
0x94: {  	s16 =	sld [smem:$0x12]  }
0x95: {  	s17 =	sld [smem:$0x13];
	[sflag:s15] =	ssyncset.done $0x0  }
0x96: {  	s5 =	sld [smem:$0x15];
	[sflag:s15] =	ssyncadd.s32 $0xFFFFFFFF  }
0x97: {  	s18 =	sld [smem:$0x16];
	(tm) =	ssettm $0x1  }
0x98: {  	s6 =	sld [smem:$0x3FFB];
	_ =	sdelay $0x3  }
0x99: {  	_ =	strace s6  }
0x9a: {  	s6 =	sld [smem:$0x3FFC];
	_ =	sdelay $0x3  }
0x9b: {  	_ =	strace s6  }
0x9c: {  	s6 =	sld [smem:$0x3FFD];
	_ =	sdelay $0x3  }
0x9d: {  	_ =	strace s6  }
0x9e: {  	_ =	strace $0x8FFFFFFF  }
0x9f: {  	s19 =	sld [smem:$0x3FDB];
	_ =	sdelay $0x1  }
0xa0: {  	s7 =	simm.s32 $_scs_section_size  }
0xa1: {  	s8 =	simm.s32 $_size__tile_overlayer_lowered;
	s9 =	simm.s32 $_tile_overlayer_lowered  }
0xa2: {  	s22 =	simm.s32 $0x1BFF;
	s21 =	sshll.u32 s9, $0x1;
	s6 =	sadd.s32 s7, s19  }
0xa3: {  	s10 =	simm.s32 $0x0;
	s20 =	sshll.u32 s8, $0x1;
	s8 =	sadd.s32 s21, s6  }
0xa4: {  	[timem:s10], [sflag:s22] =	dma.local [hbm:s8], s20  }
0xa5: {  	_ =	swait.ge [sflag:s22], s20  }
0xa6: {  	s7 =	ssub.s32 $0x0, s20;
	[sflag:s22] =	ssyncset.done $0x0  }
0xa7: {  	[sflag:s22] =	ssyncadd.s32 s7;
	_ =	sdelay $0x1  }
0xa8: {  	s23 =	simm.s32 $0x1B8B  }
0xa9: {  	_ =	swait.ge [sflag:s23], $0x1  }
0xaa: {  	[sflag:s23] =	ssyncset.done $0x0  }
0xab: {  	s25 =	simm.s32 $0x1B8E;
	s24 =	sld [smem:$0x3FFE];
	[sflag:s23] =	ssyncadd.s32 $0xFFFFFFFF  }
0xac: {  	s26 =	simm.s32 $execute0_lowered;
	[smem:$0x3FD2] =	sst s25  }
0xad: {  	s8 =	sshll.u32 s26, $0x1;
	_ =	strace $0x8000004F;
	[dreg:$0x1] =	wrdreg $0xFFFFFFFF  }
0xae: {  	s28 =	simm.s32 $_size_execute0_lowered;
	s6 =	sadd.s32 s6, s8;
	[dreg:$0x0] =	wrdreg $0x0  }
0xaf: {  	s8 =	sshll.u32 s28, $0x1;
	[dreg:$0x2] =	wrdreg s6  }
0xb0: {  	[dreg:$0x3] =	wrdreg s8  }
0xb1: {  	[dreg:$0x4] =	wrdreg $0xC0  }
0xb2: {  	_ =	task [dreg:s10], $0x5FFFF  }
0xb3: {  	[dreg:$0x1] =	wrdreg $0xFFFFFFFF  }
0xb4: {  	[dreg:$0x0] =	wrdreg $0x60  }
0xb5: {  	[dreg:$0x2] =	wrdreg s18  }
0xb6: {  	[dreg:$0x3] =	wrdreg s5  }
0xb7: {  	[dreg:$0x4] =	wrdreg s17  }
0xb8: {  	[dreg:$0x5] =	wrdreg s16  }
0xb9: {  	[dreg:$0x6] =	wrdreg s24  }
0xba: {  	[dreg:$0x7] =	wrdreg $0x9  }
0xbb: {  	_ =	task.clear_ibuf [dreg:s10], $0x8FFFF;
	_ =	strace $0x9000004F  }
0xbc: {  	s29 =	simm.s32 $0x9;
	_ =	strace $0x80000051  }
0xbd: {  	_ =	swait.ge [sflag:s29], $0x1  }
0xbe: {  	[sflag:s29] =	ssyncadd.s32 $0xFFFFFFFF  }
0xbf: {  	_ =	strace $0x90000051  }
0xc0: {  	_ =	sfence  }
0xc1: {  	s30 =	sld [smem:$0x0];
	_ =	sdelay $0x2  }
0xc2: {  	s31 =	sshll.u32 s1, $0xD;
	s1 =	sshrl.u32 s1, $0x2  }
0xc3: {  	s3 =	sand.u32 $0x4000, s31;
	s1 =	sadd.s32 s1, s30  }
0xc4: {  	s0 =	sor.u32 s3, s0;
	s1 =	sshll.u32 s1, $0x11  }
0xc5: {  	s0 =	sor.u32 s1, s0  }
0xc6: {  	s0 =	sadd.s32 $0x8F2B, s0  }
0xc7: {  	[sflag:s0] =	ssyncadd.remote.s32 $0x1  }
0xc8: {  	_ =	sfence.sel $0xFFFF  }
0xc9: {  	[dreg:$0x0] =	wrdreg $0xFFFFFFFF;
	(pc) =	sbr.abs _section_cstart, $3  }
0xca: {  	[dreg:$0x1] =	wrdreg $0xFFFFFFFF  }
0xcb: {  	_ =	task.clear_ibuf [dreg:s10], $0x2FFFF;
	_ =	strace $0x9FFFFFFF  }
0xcc: {  	(tm) =	ssettm $0x7FFFFFFF  }
0xcd: {  	_ =	shalt  }
tec
execute0_lowered:
.L_overlay_start_1:
0x0: {  	(tag) =	ssettag $0x1  }
0x1: {  	s1 =	rddreg [dreg:$0x0]  }
0x2: {  	s2 =	rddreg [dreg:$0x1]  }
0x3: {  	s5 =	rddreg [dreg:$0x2]  }
0x4: {  	s6 =	rddreg [dreg:$0x3]  }
0x5: {  	s7 =	rddreg [dreg:$0x4]  }
0x6: {  	s0 =	rddreg [dreg:$0x5];
	s4 =	simm.s32 $0x0;
	s8 =	srdreg.scid  }
0x7: {  	s3 =	stileid.u32;
	s13 =	simm.s32 $0x8000;
	s14 =	simm.s32 $0x9400  }
0x8: {  	s15 =	simm.s32 $0x1;
	s16 =	simm.s32 $0x2;
	s17 =	simm.s32 $0x0  }
0x9: {  	[smem:$0x7FF] =	sst s4;
	s8 =	sand.u32 $0x1, s8;
	s9 =	smul.u32 $0x27100, s3  }
0xa: {  	s11 =	sshll.u32 s3, $0xC;
	_ =	strace $0x80000050;
	s10 =	ssub.s32 $0x2, s8  }
0xb: {  	s12 =	sshll.u32 s8, $0xB;
	s8 =	smul.u32 $0x13880, s8;
	s7 =	sadd.s32 s9, s7  }
0xc: {  	s30 =	sshrl.u32 s10, $0x1;
	s11 =	sor.u32 s12, s11;
	s12 =	simm.s32 $0x28  }
0xd: {  	s9 =	ssub.s32 s10, s30;
	s5 =	sadd.s32 s5, s11;
	s31 =	sadd.s32 s8, s7  }
0xe: {  	s6 =	sadd.s32 s6, s11;
	s10 =	simm.s32 $0x3;
	s11 =	simm.s32 $0x4000  }
0xf: {  	s7 =	smax.u32 s9, $0x1;
	s8 =	sadd.s32 $0x4800, s31;
	s9 =	sadd.s32 $0x275800, s31  }
.LBB2_1:
0x10: {  	[tilespmem:s4], [sflag:$0x3] =	stream.linear.gather [hbm4b:s5+s4], $0x3E80, $0x38;
	[tilespmem:$0xA800] =	vst v63  }
0x11: {  	_ =	swait.ge [sflag:s10], $0x3E80  }
0x12: {  	[sflag:s10] =	ssyncset.done $0x0  }
0x13: {  	[sflag:s10] =	ssyncadd.s32 $0xFFFFC180  }
0x14: {  	[tilespmem:s11], [sflag:$0x3] =	stream.linear.gather [hbm4b:s6+s4], $0x3E80, $0x38;
	[tilespmem:$0xA800] =	vst v63  }
0x15: {  	_ =	swait.ge [sflag:s10], $0x3E80  }
0x16: {  	[sflag:s10] =	ssyncset.done $0x0  }
0x17: {  	s18 =	simm.s32 $0x0;
	[sflag:s10] =	ssyncadd.s32 $0xFFFFC180  }
0x18: {  	[tilespmem:s13], [sflag:$0x1] =	stream.indirect.gather [hbm4b:s1+s12], $0x80, s18, s12, $0xb8;
	[tilespmem:$0xA800] =	vst v63  }
0x19: {  	s31 =	simm.s32 $0x4000  }
0x1a: {  	[tilespmem:s14], [sflag:$0x2] =	stream.indirect.gather [hbm4b:s2+s12], $0x80, s31, s12, $0xb8;
	[tilespmem:$0xA800] =	vst v63  }
0x1b: {  	_ =	swait.ge [sflag:s15], $0x1400  }
0x1c: {  	[sflag:s15] =	ssyncset.done $0x0  }
0x1d: {  	[sflag:s15] =	ssyncadd.s32 $0xFFFFEC00  }
0x1e: {  	_ =	swait.ge [sflag:s16], $0x1400  }
0x1f: {  	[sflag:s16] =	ssyncset.done $0x0  }
0x20: {  	[sflag:s16] =	ssyncadd.s32 $0xFFFFEC00  }
0x21: {  	[hbm4b:s8+s4] =	stream.linear.scatter [tilespmem:s13], [sflag:$0x3], $0x1400, $0x38;
	[tilespmem:$0xA800] =	vst v63  }
0x22: {  	_ =	swait.ge [sflag:s10], $0x1400  }
0x23: {  	[sflag:s10] =	ssyncset.done $0x0  }
0x24: {  	[sflag:s10] =	ssyncadd.s32 $0xFFFFEC00  }
0x25: {  	[hbm4b:s9+s4] =	stream.linear.scatter [tilespmem:s14], [sflag:$0x3], $0x1400, $0x38;
	[tilespmem:$0xA800] =	vst v63  }
0x26: {  	s20 =	simm.s32 $0x200;
	s21 =	simm.s32 $0x400;
	_ =	swait.ge [sflag:s10], $0x1400  }
0x27: {  	s19 =	sadd.s32 $0x280, s8;
	s18 =	sadd.s32 $0x280, s9;
	[sflag:s10] =	ssyncset.done $0x0  }
.LBB2_2:
0x28: {  	s22 =	sshra.s32 s20, $0x2  }
0x29: {  	[sflag:s10] =	ssyncadd.s32 $0xFFFFEC00;
	s20 =	smov.u32 s21;
	s23 =	sadd.s32 $0x200, s21  }
0x2a: {  	[tilespmem:s13], [sflag:$0x1] =	stream.indirect.gather [hbm4b:s1+s12], $0x80, s22, s12, $0xb8;
	[tilespmem:$0xA800] =	vst v63  }
0x2b: {  	p0 =	sne.s32 s21, $0xF800;
	s21 =	sadd.s32 $0x4000, s22  }
0x2c: {  	[tilespmem:s14], [sflag:$0x2] =	stream.indirect.gather [hbm4b:s2+s12], $0x80, s21, s12, $0xb8;
	[tilespmem:$0xA800] =	vst v63  }
0x2d: {  	_ =	swait.ge [sflag:s15], $0x1400  }
0x2e: {  	[sflag:s15] =	ssyncset.done $0x0  }
0x2f: {  	[sflag:s15] =	ssyncadd.s32 $0xFFFFEC00  }
0x30: {  	_ =	swait.ge [sflag:s16], $0x1400  }
0x31: {  	[sflag:s16] =	ssyncset.done $0x0  }
0x32: {  	[sflag:s16] =	ssyncadd.s32 $0xFFFFEC00  }
0x33: {  	[hbm4b:s19+s4] =	stream.linear.scatter [tilespmem:s13], [sflag:$0x3], $0x1400, $0x38;
	[tilespmem:$0xA800] =	vst v63  }
0x34: {  	_ =	swait.ge [sflag:s10], $0x1400  }
.Ltmp0:
0x35: {  	[sflag:s10] =	ssyncset.done $0x0;
	(pc) =	sbr.rel @p0 .LBB2_2-.Ltmp0, $4  }
0x36: {  	[sflag:s10] =	ssyncadd.s32 $0xFFFFEC00  }
0x37: {  	[hbm4b:s18+s4] =	stream.linear.scatter [tilespmem:s14], [sflag:$0x3], $0x1400, $0x38;
	[tilespmem:$0xA800] =	vst v63  }
0x38: {  	s21 =	smov.u32 s23;
	_ =	swait.ge [sflag:s10], $0x1400  }
0x39: {  	s19 =	sadd.s32 $0x280, s19;
	s18 =	sadd.s32 $0x280, s18;
	[sflag:s10] =	ssyncset.done $0x0  }
0x3a: {  	s20 =	sshra.s32 s20, $0x2;
	[sflag:s10] =	ssyncadd.s32 $0xFFFFEC00  }
0x3b: {  	[tilespmem:s13], [sflag:$0x1] =	stream.indirect.gather [hbm4b:s1+s12], $0x80, s20, s12, $0xb8;
	[tilespmem:$0xA800] =	vst v63  }
0x3c: {  	s20 =	sadd.s32 $0x4000, s20  }
0x3d: {  	[tilespmem:s14], [sflag:$0x2] =	stream.indirect.gather [hbm4b:s2+s12], $0x80, s20, s12, $0xb8;
	[tilespmem:$0xA800] =	vst v63  }
0x3e: {  	_ =	swait.ge [sflag:s15], $0x1400  }
0x3f: {  	[sflag:s15] =	ssyncset.done $0x0  }
0x40: {  	[sflag:s15] =	ssyncadd.s32 $0xFFFFEC00  }
0x41: {  	_ =	swait.ge [sflag:s16], $0x1400  }
0x42: {  	[sflag:s16] =	ssyncset.done $0x0  }
0x43: {  	[sflag:s16] =	ssyncadd.s32 $0xFFFFEC00  }
0x44: {  	[hbm4b:s19+s4] =	stream.linear.scatter [tilespmem:s13], [sflag:$0x3], $0x1400, $0x38;
	[tilespmem:$0xA800] =	vst v63  }
0x45: {  	s17 =	sadd.s32 $0x1, s17;
	_ =	swait.ge [sflag:s10], $0x1400  }
0x46: {  	p0 =	sne.s32 s17, s7;
	[sflag:s10] =	ssyncset.done $0x0  }
.Ltmp1:
0x47: {  	[sflag:s10] =	ssyncadd.s32 $0xFFFFEC00;
	(pc) =	sbr.rel @p0 .LBB2_1-.Ltmp1, $4  }
0x48: {  	[hbm4b:s18+s4] =	stream.linear.scatter [tilespmem:s14], [sflag:$0x3], $0x1400, $0x38;
	[tilespmem:$0xA800] =	vst v63  }
0x49: {  	_ =	swait.ge [sflag:s10], $0x1400  }
0x4a: {  	[sflag:s10] =	ssyncset.done $0x0  }
0x4b: {  	[sflag:s10] =	ssyncadd.s32 $0xFFFFEC00  }
0x4c: {  	_ =	sfence.sel $0x180000  }
0x4d: {  	[bflag:$0x0] =	sbarrier.arrive $0xFFFF  }
0x4e: {  	p0 =	sne.s32 s3, $0x0;
	_ =	strace $0x90000050  }
0x4f: {  	s0 =	sadd.s32 @!p0 $0x100000, s0;
	[bflag:$0x2] =	sbarrier.arrive $0xFFFF  }
0x50: {  	[sflag:s0] =	ssyncadd.tile.s32 @!p0 $0x1;
	_ =	shalt  }
.Lfunc_end2:
_tile_overlayer_lowered:
.L_overlay_start_2:
0x51: {  	(tag) =	ssettag $0x2  }
0x52: {  	s0 =	rddreg [dreg:$0x0];
	s2 =	stileid.u32  }
0x53: {  	s1 =	rddreg [dreg:$0x1];
	p0 =	sne.s32 s2, $0x0  }
0x54: {  	s3 =	rddreg [dreg:$0x2];
	[bflag:$0x3] =	sbarrier.arrive $0xFFFF;
	s2 =	simm.s32 @!p0 $0x1C03  }
0x55: {  	[timem:s3], [sflag:s2] =	dma.local @!p0 [hbm:s0], s1  }
0x56: {  	s0 =	simm.s32 @!p0 $0x3  }
0x57: {  	_ =	swait.ge @!p0 [sflag:s0], s1  }
0x58: {  	s1 =	ssub.s32 @!p0 $0x0, s1;
	[sflag:s0] =	ssyncset.done @!p0 $0x0  }
0x59: {  	[sflag:s0] =	ssyncadd.s32 @!p0 s1  }
0x5a: {  	[bflag:$0x3] =	sbarrier.arrive $0xFFFF  }
0x5b: {  	_ =	shalt  }

</sc_bundles>
